<compile_context>
chip_gen: v7x
topology: tpu7x:2x2x1
jax: 0.10.2.dev20260603
libtpu: 0.0.44.dev20260713+nightly
codegen_flags: <defaults>
</compile_context>

<pallas_src>
import functools

import jax
import jax.numpy as jnp
from jax import lax
from jax.experimental import pallas as pl
from jax.experimental.pallas import tpu as pltpu
from jax.experimental.pallas import tpu_sc as plsc

N = 10000
E = 320000
D = 128
KAPPA = 0.95

NC = 2
NS = 16
NW = NC * NS
CHUNK = 128
EPAD = 327680
CPT = EPAD // (NW * CHUNK)
ACC_ROWS = 10240
DUMMY = N
DEG_W = 16
ROWS_PER_TILE = ACC_ROWS // NS
FIRE = 8
NCHUNKS = E // CHUNK
ACPT = NCHUNKS // NW
AEXTRA = NCHUNKS - ACPT * NW

_mesh = plsc.VectorSubcoreMesh(core_axis_name="c", subcore_axis_name="s")


@functools.partial(
    pl.kernel,
    out_type=jax.ShapeDtypeStruct((NC, ACC_ROWS, DEG_W), jnp.float32),
    mesh=_mesh,
    scratch_types=[
        pltpu.VMEM((CHUNK, DEG_W), jnp.float32),
        pltpu.VMEM((CHUNK, DEG_W), jnp.float32),
        pltpu.VMEM((CPT, CHUNK), jnp.int32),
        pltpu.VMEM_SHARED((ACC_ROWS, DEG_W), jnp.float32),
        pltpu.SemaphoreType.DMA,
    ],
)
def _sc_degree(dst_hbm, aux_hbm, out_hbm, zero_v, ones_v, idx_v, acc, sem):
    c = lax.axis_index("c")
    s = lax.axis_index("s")
    wid = s * NC + c
    pltpu.sync_copy(aux_hbm.at[0], zero_v)
    pltpu.sync_copy(aux_hbm.at[1], ones_v)
    pltpu.sync_copy(dst_hbm.at[wid], idx_v)
    base = s * ROWS_PER_TILE
    for k in range(ROWS_PER_TILE // CHUNK):
        pltpu.sync_copy(zero_v, acc.at[pl.ds(base + k * CHUNK, CHUNK)])
    plsc.subcore_barrier()

    def body(b, carry):
        j0 = b * FIRE
        for k in range(FIRE):
            pltpu.async_copy(ones_v, acc.at[idx_v.at[j0 + k]], sem, add=True)
        for k in range(FIRE):
            pltpu.make_async_copy(ones_v, acc.at[idx_v.at[j0 + k]], sem).wait()
        return carry

    lax.fori_loop(0, CPT // FIRE, body, 0)
    plsc.subcore_barrier()
    pltpu.sync_copy(acc.at[pl.ds(base, ROWS_PER_TILE)],
                    out_hbm.at[c, pl.ds(base, ROWS_PER_TILE)])


@functools.partial(
    pl.kernel,
    out_type=jax.ShapeDtypeStruct((NC, ACC_ROWS, D), jnp.float32),
    mesh=_mesh,
    scratch_types=[
        pltpu.VMEM((2, CHUNK), jnp.int32),
        pltpu.VMEM((2, CHUNK), jnp.int32),
        pltpu.VMEM((CHUNK, D), jnp.float32),
        pltpu.VMEM((CHUNK, D), jnp.float32),
        pltpu.VMEM_SHARED((ACC_ROWS, D), jnp.float32),
        pltpu.SemaphoreType.DMA,
        pltpu.SemaphoreType.DMA,
        pltpu.SemaphoreType.DMA,
    ],
)
def _sc_aggregate(edges_hbm, sxw_hbm, zeros_hbm, out_hbm,
                  idx0, idx1, rows0, rows1, acc, sem0, sem1, semi):
    c = lax.axis_index("c")
    s = lax.axis_index("s")
    wid = s * NC + c
    start = wid * ACPT + jnp.minimum(wid, AEXTRA)
    npairs = ACPT // 2
    pltpu.sync_copy(edges_hbm.at[start], idx0)
    pltpu.async_copy(edges_hbm.at[start + 1], idx1, semi)
    pltpu.async_copy(sxw_hbm.at[idx0.at[0]], rows0, sem0)
    pltpu.sync_copy(zeros_hbm, rows1)
    base = s * ROWS_PER_TILE
    for k in range(ROWS_PER_TILE // CHUNK):
        pltpu.sync_copy(rows1, acc.at[pl.ds(base + k * CHUNK, CHUNK)])
    plsc.subcore_barrier()

    def body(t, carry):
        j0 = start + 2 * t
        not_last = t + 1 < npairs
        pltpu.make_async_copy(edges_hbm.at[j0 + 1], idx1, semi).wait()
        pltpu.async_copy(sxw_hbm.at[idx1.at[0]], rows1, sem1)
        pltpu.make_async_copy(sxw_hbm.at[idx0.at[0]], rows0, sem0).wait()
        pltpu.sync_copy(rows0, acc.at[idx0.at[1]], add=True)

        @pl.when(not_last)
        def _():
            pltpu.sync_copy(edges_hbm.at[j0 + 2], idx0)
            pltpu.async_copy(sxw_hbm.at[idx0.at[0]], rows0, sem0)

        pltpu.make_async_copy(sxw_hbm.at[idx1.at[0]], rows1, sem1).wait()
        pltpu.sync_copy(rows1, acc.at[idx1.at[1]], add=True)

        @pl.when(not_last)
        def _():
            pltpu.async_copy(edges_hbm.at[j0 + 3], idx1, semi)

        return carry

    lax.fori_loop(0, npairs, body, 0)

    @pl.when(wid < AEXTRA)
    def _():
        pltpu.sync_copy(edges_hbm.at[start + ACPT], idx0)
        pltpu.async_copy(sxw_hbm.at[idx0.at[0]], rows0, sem0)
        pltpu.make_async_copy(sxw_hbm.at[idx0.at[0]], rows0, sem0).wait()
        pltpu.sync_copy(rows0, acc.at[idx0.at[1]], add=True)

    plsc.subcore_barrier()
    pltpu.sync_copy(acc.at[pl.ds(base, ROWS_PER_TILE)],
                    out_hbm.at[c, pl.ds(base, ROWS_PER_TILE)])


def _project(W):
    Wabs = jnp.abs(W)
    row_sum = jnp.sum(Wabs, axis=1, keepdims=True)
    hi0 = jnp.max(Wabs, axis=1, keepdims=True)

    def bis(i, lohi):
        lo, hi = lohi
        mid = 0.5 * (lo + hi)
        g = jnp.sum(jnp.maximum(Wabs - mid, 0.0), axis=1, keepdims=True)
        gt = g > KAPPA
        return (jnp.where(gt, mid, lo), jnp.where(gt, hi, mid))

    lo, hi = lax.fori_loop(0, 40, bis, (jnp.zeros_like(hi0), hi0))
    theta = 0.5 * (lo + hi)
    proj = jnp.sign(W) * jnp.maximum(Wabs - theta, 0.0)
    return jnp.where(row_sum > KAPPA, proj, W)


def _dinv_from_parts(degp_ref):
    deg = degp_ref[0, 0:N, 0:1] + degp_ref[1, 0:N, 0:1] + 1.0
    return lax.rsqrt(deg)


def _tc_xw_body(emb_ref, w_ref, out_ref):
    Wc = _project(w_ref[...])
    out_ref[...] = lax.dot_general(emb_ref[...], Wc, (((1,), (1,)), ((), ())),
                                   preferred_element_type=jnp.float32)


def _tc_scale_body(xw_ref, degp_ref, out_ref):
    out_ref[...] = xw_ref[...] * _dinv_from_parts(degp_ref)


def _tc_finish_body(parts_ref, sxw_ref, feat_ref, wmlp_ref, degp_ref, out_ref):
    dinv = _dinv_from_parts(degp_ref)
    agg = parts_ref[0, 0:N] + parts_ref[1, 0:N] + sxw_ref[...]
    mlp = lax.dot_general(feat_ref[...], wmlp_ref[...],
                          (((1,), (1,)), ((), ())),
                          preferred_element_type=jnp.float32)
    out_ref[...] = jnp.maximum(agg * dinv + mlp, 0.0)


def kernel(features, sparse_adj, embeddings, W_conv, W_mlp):
    dst = sparse_adj[1]
    pad = EPAD - E
    pad_idx = jnp.arange(pad, dtype=jnp.int32)
    dst_p = jnp.concatenate([dst, N + pad_idx % (ACC_ROWS - N)])
    edges = sparse_adj.reshape(2, NCHUNKS, CHUNK).transpose(1, 0, 2)

    aux16 = jnp.stack([jnp.zeros((CHUNK, DEG_W), jnp.float32),
                       jnp.ones((CHUNK, DEG_W), jnp.float32)])
    zeros128 = jnp.zeros((CHUNK, D), jnp.float32)

    degp = _sc_degree(dst_p.reshape(NW, CPT, CHUNK), aux16)

    xw = pl.pallas_call(
        _tc_xw_body,
        out_shape=jax.ShapeDtypeStruct((N, D), jnp.float32),
    )(embeddings, W_conv)

    sxw = pl.pallas_call(
        _tc_scale_body,
        out_shape=jax.ShapeDtypeStruct((N, D), jnp.float32),
    )(xw, degp)

    parts = _sc_aggregate(edges, sxw, zeros128)

    y = pl.pallas_call(
        _tc_finish_body,
        out_shape=jax.ShapeDtypeStruct((N, D), jnp.float32),
    )(parts, sxw, features, W_mlp, degp)
    return y

# --- scband reference (transcript-rebuilt; emitter-appended) ---
"""Pipeline reference for scband-soft-ignn-31044023616078 (READ-ONLY COPY).

The authoritative reference and input builder live on the scoring server;
editing this copy changes nothing except your own understanding.
"""

import jax, jax.numpy as jnp
import numpy as np

N = 10000
E = 320000
D_IN = 128
D_OUT = 128
KAPPA = 0.95


def projection_norm_inf(A, kappa):
    # Project each row of A onto the L1 ball of radius kappa (rows whose
    # L1 norm exceeds kappa), so that ||A||_inf <= kappa. Matches IGNN's
    # projection_norm_inf.
    d = A.shape[1]
    absA = jnp.abs(A)
    row_sum = absA.sum(axis=1)
    u = -jnp.sort(-absA, axis=1)  # descending sort of |row|
    css = jnp.cumsum(u, axis=1)
    ks = jnp.arange(1, d + 1, dtype=A.dtype)
    cond = u * ks > (css - kappa)
    rho = jnp.maximum(jnp.sum(cond, axis=1), 1)
    theta = (jnp.take_along_axis(css, (rho - 1)[:, None], axis=1)[:, 0] - kappa) / rho.astype(A.dtype)
    theta = jnp.maximum(theta, 0.0)
    proj = jnp.sign(A) * jnp.maximum(absA - theta[:, None], 0.0)
    return jnp.where((row_sum > kappa)[:, None], proj, A)


def xavier_uniform(key, shape):
    limit = float(np.sqrt(6.0 / (shape[0] + shape[1])))
    return jax.random.uniform(key, shape, dtype=jnp.float32, minval=-limit, maxval=limit)


def setup_inputs(seed: int = 0) -> dict:
    key = jax.random.key(seed)
    k1, k2, k3, k4, k5 = jax.random.split(key, 5)
    features = jax.random.normal(k1, (N, D_IN), dtype=jnp.float32)
    edge_index = jax.random.randint(k2, (2, E), 0, N, dtype=jnp.int32)
    # learned parameters
    embeddings = 0.01 * jax.random.uniform(k3, (N, D_OUT), dtype=jnp.float32)  # self.embeddings
    W_conv = xavier_uniform(k4, (D_OUT, D_OUT))  # GCNConv lin weight (out, in)
    W_mlp = xavier_uniform(k5, (D_OUT, D_IN))    # nn.Linear(in_channels, out_channels, bias=False)
    return {"features": features, "sparse_adj": edge_index,
            "embeddings": embeddings, "W_conv": W_conv, "W_mlp": W_mlp}


def _gcn_conv(x, src, dst, W, n):
    # PyG GCNConv(normalize=True, bias=False): x' = lin(x), then
    # D^{-1/2}(A+I)D^{-1/2} aggregation (self loops added).
    xw = x @ W.T
    deg = jax.ops.segment_sum(jnp.ones_like(dst, dtype=xw.dtype), dst, num_segments=n)
    dinv = jnp.where(deg > 0, deg ** -0.5, 0.0)
    norm = dinv[src] * dinv[dst]
    msg = xw[src] * norm[:, None]
    return jax.ops.segment_sum(msg, dst, num_segments=n)


def reference(features, sparse_adj, embeddings, W_conv, W_mlp):
    # SoftIGNN.forward: project conv weight, then baseIGNN (1 layer)
    Wc = projection_norm_inf(W_conv, KAPPA)
    self_loops = jnp.arange(N, dtype=sparse_adj.dtype)
    src = jnp.concatenate([sparse_adj[0], self_loops])
    dst = jnp.concatenate([sparse_adj[1], self_loops])
    x = embeddings
    x = _gcn_conv(x, src, dst, Wc, N)
    x = x + features @ W_mlp.T
    x = jax.nn.relu(x)
    return x

if __name__ == "__main__":
    import jax
    _d = setup_inputs()
    print(jax.jit(kernel)(*tuple(_d.values())))

</pallas_src>

<mosaic_0001>
#map = affine_map<(d0, d1) -> (0, 0, 0)>
module attributes {stable_mosaic.version = 14 : i64} {
  func.func @_sc_degree(%arg0: i32, %arg1: i32, %arg2: memref<32x80x128xi32, #tpu.memory_space<hbm>>, %arg3: memref<2x128x16xf32, #tpu.memory_space<hbm>>, %arg4: memref<2x10240x16xf32, #tpu.memory_space<hbm>>, %arg5: memref<128x16xf32, #tpu.memory_space<vmem>>, %arg6: memref<128x16xf32, #tpu.memory_space<vmem>>, %arg7: memref<80x128xi32, #tpu.memory_space<vmem>>, %arg8: memref<10240x16xf32, #tpu.memory_space<vmem_shared>>, %arg9: memref<!tpu.dma_semaphore, #tpu.memory_space<semaphore_mem>>) attributes {dimension_semantics = [#tpu.dimension_semantics<core_parallel>, #tpu.dimension_semantics<subcore_parallel>], iteration_bounds = array<i64: 2, 16>, scalar_prefetch = 0 : i64, scratch_operands = 5 : i64, tpu.core_type = #tpu.core_type<sc_vector_subcore>, window_params = [{transform_indices = #map}, {transform_indices = #map}, {transform_indices = #map}]} {
    %mul3A = arith.constant 2 : i32
    %mul3A_0 = arith.muli %arg1, %mul3A : i32
    %add3A = arith.addi %mul3A_0, %arg0 : i32
    %run_scoped3A = arith.constant 0 : i32
    "tpu.region"() ({
      %run_scoped3A_20 = tpu.sem_alloc : memref<!tpu.dma_semaphore, #tpu.memory_space<semaphore_mem>>
      %dma_start3A = arith.constant 0 : i32
      %dma_start3A_21 = arith.constant 0 : i32
      %dma_start3A_22 = tpu.memref_slice %arg3[%run_scoped3A, %dma_start3A, %dma_start3A_21] : memref<2x128x16xf32, #tpu.memory_space<hbm>> -> memref<1x128x16xf32, #tpu.memory_space<hbm>>
      %dma_start3A_23 = tpu.memref_squeeze %dma_start3A_22 : memref<1x128x16xf32, #tpu.memory_space<hbm>> -> memref<128x16xf32, #tpu.memory_space<hbm>>
      %dma_start3A_24 = arith.constant 0 : i32
      %dma_start3A_25 = arith.constant 0 : i32
      %dma_start3A_26 = tpu.memref_slice %arg3[%run_scoped3A, %dma_start3A_24, %dma_start3A_25] : memref<2x128x16xf32, #tpu.memory_space<hbm>> -> memref<1x128x16xf32, #tpu.memory_space<hbm>>
      %dma_start3A_27 = tpu.memref_squeeze %dma_start3A_26 : memref<1x128x16xf32, #tpu.memory_space<hbm>> -> memref<128x16xf32, #tpu.memory_space<hbm>>
      tpu.enqueue_dma source(%dma_start3A_27 : memref<128x16xf32, #tpu.memory_space<hbm>>) target(%arg5 : memref<128x16xf32, #tpu.memory_space<vmem>>) target_semaphore(%run_scoped3A_20 : memref<!tpu.dma_semaphore, #tpu.memory_space<semaphore_mem>>)
      %dma_wait3A = arith.constant 0 : i32
      %dma_wait3A_28 = arith.constant 0 : i32
      %dma_wait3A_29 = tpu.memref_slice %arg3[%run_scoped3A, %dma_wait3A, %dma_wait3A_28] : memref<2x128x16xf32, #tpu.memory_space<hbm>> -> memref<1x128x16xf32, #tpu.memory_space<hbm>>
      %dma_wait3A_30 = tpu.memref_squeeze %dma_wait3A_29 : memref<1x128x16xf32, #tpu.memory_space<hbm>> -> memref<128x16xf32, #tpu.memory_space<hbm>>
      %dma_wait3A_31 = arith.constant 0 : i32
      %dma_wait3A_32 = arith.constant 0 : i32
      %dma_wait3A_33 = tpu.memref_slice %arg3[%run_scoped3A, %dma_wait3A_31, %dma_wait3A_32] : memref<2x128x16xf32, #tpu.memory_space<hbm>> -> memref<1x128x16xf32, #tpu.memory_space<hbm>>
      %dma_wait3A_34 = tpu.memref_squeeze %dma_wait3A_33 : memref<1x128x16xf32, #tpu.memory_space<hbm>> -> memref<128x16xf32, #tpu.memory_space<hbm>>
      tpu.wait_dma2 semaphore(%run_scoped3A_20 : memref<!tpu.dma_semaphore, #tpu.memory_space<semaphore_mem>>) src(%dma_wait3A_34 : memref<128x16xf32, #tpu.memory_space<hbm>>) dst(%arg5 : memref<128x16xf32, #tpu.memory_space<vmem>>)
      tpu.yield
    }) : () -> ()
    %run_scoped3A_1 = arith.constant 1 : i32
    "tpu.region"() ({
      %run_scoped3A_20 = tpu.sem_alloc : memref<!tpu.dma_semaphore, #tpu.memory_space<semaphore_mem>>
      %dma_start3A = arith.constant 0 : i32
      %dma_start3A_21 = arith.constant 0 : i32
      %dma_start3A_22 = tpu.memref_slice %arg3[%run_scoped3A_1, %dma_start3A, %dma_start3A_21] : memref<2x128x16xf32, #tpu.memory_space<hbm>> -> memref<1x128x16xf32, #tpu.memory_space<hbm>>
      %dma_start3A_23 = tpu.memref_squeeze %dma_start3A_22 : memref<1x128x16xf32, #tpu.memory_space<hbm>> -> memref<128x16xf32, #tpu.memory_space<hbm>>
      %dma_start3A_24 = arith.constant 0 : i32
      %dma_start3A_25 = arith.constant 0 : i32
      %dma_start3A_26 = tpu.memref_slice %arg3[%run_scoped3A_1, %dma_start3A_24, %dma_start3A_25] : memref<2x128x16xf32, #tpu.memory_space<hbm>> -> memref<1x128x16xf32, #tpu.memory_space<hbm>>
      %dma_start3A_27 = tpu.memref_squeeze %dma_start3A_26 : memref<1x128x16xf32, #tpu.memory_space<hbm>> -> memref<128x16xf32, #tpu.memory_space<hbm>>
      tpu.enqueue_dma source(%dma_start3A_27 : memref<128x16xf32, #tpu.memory_space<hbm>>) target(%arg6 : memref<128x16xf32, #tpu.memory_space<vmem>>) target_semaphore(%run_scoped3A_20 : memref<!tpu.dma_semaphore, #tpu.memory_space<semaphore_mem>>)
      %dma_wait3A = arith.constant 0 : i32
      %dma_wait3A_28 = arith.constant 0 : i32
      %dma_wait3A_29 = tpu.memref_slice %arg3[%run_scoped3A_1, %dma_wait3A, %dma_wait3A_28] : memref<2x128x16xf32, #tpu.memory_space<hbm>> -> memref<1x128x16xf32, #tpu.memory_space<hbm>>
      %dma_wait3A_30 = tpu.memref_squeeze %dma_wait3A_29 : memref<1x128x16xf32, #tpu.memory_space<hbm>> -> memref<128x16xf32, #tpu.memory_space<hbm>>
      %dma_wait3A_31 = arith.constant 0 : i32
      %dma_wait3A_32 = arith.constant 0 : i32
      %dma_wait3A_33 = tpu.memref_slice %arg3[%run_scoped3A_1, %dma_wait3A_31, %dma_wait3A_32] : memref<2x128x16xf32, #tpu.memory_space<hbm>> -> memref<1x128x16xf32, #tpu.memory_space<hbm>>
      %dma_wait3A_34 = tpu.memref_squeeze %dma_wait3A_33 : memref<1x128x16xf32, #tpu.memory_space<hbm>> -> memref<128x16xf32, #tpu.memory_space<hbm>>
      tpu.wait_dma2 semaphore(%run_scoped3A_20 : memref<!tpu.dma_semaphore, #tpu.memory_space<semaphore_mem>>) src(%dma_wait3A_34 : memref<128x16xf32, #tpu.memory_space<hbm>>) dst(%arg6 : memref<128x16xf32, #tpu.memory_space<vmem>>)
      tpu.yield
    }) : () -> ()
    "tpu.region"() ({
      %run_scoped3A_20 = tpu.sem_alloc : memref<!tpu.dma_semaphore, #tpu.memory_space<semaphore_mem>>
      %dma_start3A = arith.constant 0 : i32
      %dma_start3A_21 = arith.constant 0 : i32
      %dma_start3A_22 = tpu.memref_slice %arg2[%add3A, %dma_start3A, %dma_start3A_21] : memref<32x80x128xi32, #tpu.memory_space<hbm>> -> memref<1x80x128xi32, #tpu.memory_space<hbm>>
      %dma_start3A_23 = tpu.memref_squeeze %dma_start3A_22 : memref<1x80x128xi32, #tpu.memory_space<hbm>> -> memref<80x128xi32, #tpu.memory_space<hbm>>
      %dma_start3A_24 = arith.constant 0 : i32
      %dma_start3A_25 = arith.constant 0 : i32
      %dma_start3A_26 = tpu.memref_slice %arg2[%add3A, %dma_start3A_24, %dma_start3A_25] : memref<32x80x128xi32, #tpu.memory_space<hbm>> -> memref<1x80x128xi32, #tpu.memory_space<hbm>>
      %dma_start3A_27 = tpu.memref_squeeze %dma_start3A_26 : memref<1x80x128xi32, #tpu.memory_space<hbm>> -> memref<80x128xi32, #tpu.memory_space<hbm>>
      tpu.enqueue_dma source(%dma_start3A_27 : memref<80x128xi32, #tpu.memory_space<hbm>>) target(%arg7 : memref<80x128xi32, #tpu.memory_space<vmem>>) target_semaphore(%run_scoped3A_20 : memref<!tpu.dma_semaphore, #tpu.memory_space<semaphore_mem>>)
      %dma_wait3A = arith.constant 0 : i32
      %dma_wait3A_28 = arith.constant 0 : i32
      %dma_wait3A_29 = tpu.memref_slice %arg2[%add3A, %dma_wait3A, %dma_wait3A_28] : memref<32x80x128xi32, #tpu.memory_space<hbm>> -> memref<1x80x128xi32, #tpu.memory_space<hbm>>
      %dma_wait3A_30 = tpu.memref_squeeze %dma_wait3A_29 : memref<1x80x128xi32, #tpu.memory_space<hbm>> -> memref<80x128xi32, #tpu.memory_space<hbm>>
      %dma_wait3A_31 = arith.constant 0 : i32
      %dma_wait3A_32 = arith.constant 0 : i32
      %dma_wait3A_33 = tpu.memref_slice %arg2[%add3A, %dma_wait3A_31, %dma_wait3A_32] : memref<32x80x128xi32, #tpu.memory_space<hbm>> -> memref<1x80x128xi32, #tpu.memory_space<hbm>>
      %dma_wait3A_34 = tpu.memref_squeeze %dma_wait3A_33 : memref<1x80x128xi32, #tpu.memory_space<hbm>> -> memref<80x128xi32, #tpu.memory_space<hbm>>
      tpu.wait_dma2 semaphore(%run_scoped3A_20 : memref<!tpu.dma_semaphore, #tpu.memory_space<semaphore_mem>>) src(%dma_wait3A_34 : memref<80x128xi32, #tpu.memory_space<hbm>>) dst(%arg7 : memref<80x128xi32, #tpu.memory_space<vmem>>)
      tpu.yield
    }) : () -> ()
    %mul3A_2 = arith.constant 640 : i32
    %mul3A_3 = arith.muli %arg1, %mul3A_2 : i32
    %add3A_4 = arith.constant 0 : i32
    %add3A_5 = arith.addi %mul3A_3, %add3A_4 : i32
    "tpu.region"() ({
      %run_scoped3A_20 = tpu.sem_alloc : memref<!tpu.dma_semaphore, #tpu.memory_space<semaphore_mem>>
      %dma_start3A = arith.constant 0 : i32
      %dma_start3A_21 = tpu.memref_slice %arg8[%add3A_5, %dma_start3A] : memref<10240x16xf32, #tpu.memory_space<vmem_shared>> -> memref<128x16xf32, #tpu.memory_space<vmem_shared>>
      %dma_start3A_22 = arith.constant 0 : i32
      %dma_start3A_23 = tpu.memref_slice %arg8[%add3A_5, %dma_start3A_22] : memref<10240x16xf32, #tpu.memory_space<vmem_shared>> -> memref<128x16xf32, #tpu.memory_space<vmem_shared>>
      tpu.enqueue_dma source(%arg5 : memref<128x16xf32, #tpu.memory_space<vmem>>) target(%dma_start3A_23 : memref<128x16xf32, #tpu.memory_space<vmem_shared>>) target_semaphore(%run_scoped3A_20 : memref<!tpu.dma_semaphore, #tpu.memory_space<semaphore_mem>>)
      %dma_wait3A = arith.constant 0 : i32
      %dma_wait3A_24 = tpu.memref_slice %arg8[%add3A_5, %dma_wait3A] : memref<10240x16xf32, #tpu.memory_space<vmem_shared>> -> memref<128x16xf32, #tpu.memory_space<vmem_shared>>
      %dma_wait3A_25 = arith.constant 0 : i32
      %dma_wait3A_26 = tpu.memref_slice %arg8[%add3A_5, %dma_wait3A_25] : memref<10240x16xf32, #tpu.memory_space<vmem_shared>> -> memref<128x16xf32, #tpu.memory_space<vmem_shared>>
      tpu.wait_dma2 semaphore(%run_scoped3A_20 : memref<!tpu.dma_semaphore, #tpu.memory_space<semaphore_mem>>) src(%arg5 : memref<128x16xf32, #tpu.memory_space<vmem>>) dst(%dma_wait3A_26 : memref<128x16xf32, #tpu.memory_space<vmem_shared>>)
      tpu.yield
    }) : () -> ()
    %add3A_6 = arith.constant 128 : i32
    %add3A_7 = arith.addi %mul3A_3, %add3A_6 : i32
    "tpu.region"() ({
      %run_scoped3A_20 = tpu.sem_alloc : memref<!tpu.dma_semaphore, #tpu.memory_space<semaphore_mem>>
      %dma_start3A = arith.constant 0 : i32
      %dma_start3A_21 = tpu.memref_slice %arg8[%add3A_7, %dma_start3A] : memref<10240x16xf32, #tpu.memory_space<vmem_shared>> -> memref<128x16xf32, #tpu.memory_space<vmem_shared>>
      %dma_start3A_22 = arith.constant 0 : i32
      %dma_start3A_23 = tpu.memref_slice %arg8[%add3A_7, %dma_start3A_22] : memref<10240x16xf32, #tpu.memory_space<vmem_shared>> -> memref<128x16xf32, #tpu.memory_space<vmem_shared>>
      tpu.enqueue_dma source(%arg5 : memref<128x16xf32, #tpu.memory_space<vmem>>) target(%dma_start3A_23 : memref<128x16xf32, #tpu.memory_space<vmem_shared>>) target_semaphore(%run_scoped3A_20 : memref<!tpu.dma_semaphore, #tpu.memory_space<semaphore_mem>>)
      %dma_wait3A = arith.constant 0 : i32
      %dma_wait3A_24 = tpu.memref_slice %arg8[%add3A_7, %dma_wait3A] : memref<10240x16xf32, #tpu.memory_space<vmem_shared>> -> memref<128x16xf32, #tpu.memory_space<vmem_shared>>
      %dma_wait3A_25 = arith.constant 0 : i32
      %dma_wait3A_26 = tpu.memref_slice %arg8[%add3A_7, %dma_wait3A_25] : memref<10240x16xf32, #tpu.memory_space<vmem_shared>> -> memref<128x16xf32, #tpu.memory_space<vmem_shared>>
      tpu.wait_dma2 semaphore(%run_scoped3A_20 : memref<!tpu.dma_semaphore, #tpu.memory_space<semaphore_mem>>) src(%arg5 : memref<128x16xf32, #tpu.memory_space<vmem>>) dst(%dma_wait3A_26 : memref<128x16xf32, #tpu.memory_space<vmem_shared>>)
      tpu.yield
    }) : () -> ()
    %add3A_8 = arith.constant 256 : i32
    %add3A_9 = arith.addi %mul3A_3, %add3A_8 : i32
    "tpu.region"() ({
      %run_scoped3A_20 = tpu.sem_alloc : memref<!tpu.dma_semaphore, #tpu.memory_space<semaphore_mem>>
      %dma_start3A = arith.constant 0 : i32
      %dma_start3A_21 = tpu.memref_slice %arg8[%add3A_9, %dma_start3A] : memref<10240x16xf32, #tpu.memory_space<vmem_shared>> -> memref<128x16xf32, #tpu.memory_space<vmem_shared>>
      %dma_start3A_22 = arith.constant 0 : i32
      %dma_start3A_23 = tpu.memref_slice %arg8[%add3A_9, %dma_start3A_22] : memref<10240x16xf32, #tpu.memory_space<vmem_shared>> -> memref<128x16xf32, #tpu.memory_space<vmem_shared>>
      tpu.enqueue_dma source(%arg5 : memref<128x16xf32, #tpu.memory_space<vmem>>) target(%dma_start3A_23 : memref<128x16xf32, #tpu.memory_space<vmem_shared>>) target_semaphore(%run_scoped3A_20 : memref<!tpu.dma_semaphore, #tpu.memory_space<semaphore_mem>>)
      %dma_wait3A = arith.constant 0 : i32
      %dma_wait3A_24 = tpu.memref_slice %arg8[%add3A_9, %dma_wait3A] : memref<10240x16xf32, #tpu.memory_space<vmem_shared>> -> memref<128x16xf32, #tpu.memory_space<vmem_shared>>
      %dma_wait3A_25 = arith.constant 0 : i32
      %dma_wait3A_26 = tpu.memref_slice %arg8[%add3A_9, %dma_wait3A_25] : memref<10240x16xf32, #tpu.memory_space<vmem_shared>> -> memref<128x16xf32, #tpu.memory_space<vmem_shared>>
      tpu.wait_dma2 semaphore(%run_scoped3A_20 : memref<!tpu.dma_semaphore, #tpu.memory_space<semaphore_mem>>) src(%arg5 : memref<128x16xf32, #tpu.memory_space<vmem>>) dst(%dma_wait3A_26 : memref<128x16xf32, #tpu.memory_space<vmem_shared>>)
      tpu.yield
    }) : () -> ()
    %add3A_10 = arith.constant 384 : i32
    %add3A_11 = arith.addi %mul3A_3, %add3A_10 : i32
    "tpu.region"() ({
      %run_scoped3A_20 = tpu.sem_alloc : memref<!tpu.dma_semaphore, #tpu.memory_space<semaphore_mem>>
      %dma_start3A = arith.constant 0 : i32
      %dma_start3A_21 = tpu.memref_slice %arg8[%add3A_11, %dma_start3A] : memref<10240x16xf32, #tpu.memory_space<vmem_shared>> -> memref<128x16xf32, #tpu.memory_space<vmem_shared>>
      %dma_start3A_22 = arith.constant 0 : i32
      %dma_start3A_23 = tpu.memref_slice %arg8[%add3A_11, %dma_start3A_22] : memref<10240x16xf32, #tpu.memory_space<vmem_shared>> -> memref<128x16xf32, #tpu.memory_space<vmem_shared>>
      tpu.enqueue_dma source(%arg5 : memref<128x16xf32, #tpu.memory_space<vmem>>) target(%dma_start3A_23 : memref<128x16xf32, #tpu.memory_space<vmem_shared>>) target_semaphore(%run_scoped3A_20 : memref<!tpu.dma_semaphore, #tpu.memory_space<semaphore_mem>>)
      %dma_wait3A = arith.constant 0 : i32
      %dma_wait3A_24 = tpu.memref_slice %arg8[%add3A_11, %dma_wait3A] : memref<10240x16xf32, #tpu.memory_space<vmem_shared>> -> memref<128x16xf32, #tpu.memory_space<vmem_shared>>
      %dma_wait3A_25 = arith.constant 0 : i32
      %dma_wait3A_26 = tpu.memref_slice %arg8[%add3A_11, %dma_wait3A_25] : memref<10240x16xf32, #tpu.memory_space<vmem_shared>> -> memref<128x16xf32, #tpu.memory_space<vmem_shared>>
      tpu.wait_dma2 semaphore(%run_scoped3A_20 : memref<!tpu.dma_semaphore, #tpu.memory_space<semaphore_mem>>) src(%arg5 : memref<128x16xf32, #tpu.memory_space<vmem>>) dst(%dma_wait3A_26 : memref<128x16xf32, #tpu.memory_space<vmem_shared>>)
      tpu.yield
    }) : () -> ()
    %add3A_12 = arith.constant 512 : i32
    %add3A_13 = arith.addi %mul3A_3, %add3A_12 : i32
    "tpu.region"() ({
      %run_scoped3A_20 = tpu.sem_alloc : memref<!tpu.dma_semaphore, #tpu.memory_space<semaphore_mem>>
      %dma_start3A = arith.constant 0 : i32
      %dma_start3A_21 = tpu.memref_slice %arg8[%add3A_13, %dma_start3A] : memref<10240x16xf32, #tpu.memory_space<vmem_shared>> -> memref<128x16xf32, #tpu.memory_space<vmem_shared>>
      %dma_start3A_22 = arith.constant 0 : i32
      %dma_start3A_23 = tpu.memref_slice %arg8[%add3A_13, %dma_start3A_22] : memref<10240x16xf32, #tpu.memory_space<vmem_shared>> -> memref<128x16xf32, #tpu.memory_space<vmem_shared>>
      tpu.enqueue_dma source(%arg5 : memref<128x16xf32, #tpu.memory_space<vmem>>) target(%dma_start3A_23 : memref<128x16xf32, #tpu.memory_space<vmem_shared>>) target_semaphore(%run_scoped3A_20 : memref<!tpu.dma_semaphore, #tpu.memory_space<semaphore_mem>>)
      %dma_wait3A = arith.constant 0 : i32
      %dma_wait3A_24 = tpu.memref_slice %arg8[%add3A_13, %dma_wait3A] : memref<10240x16xf32, #tpu.memory_space<vmem_shared>> -> memref<128x16xf32, #tpu.memory_space<vmem_shared>>
      %dma_wait3A_25 = arith.constant 0 : i32
      %dma_wait3A_26 = tpu.memref_slice %arg8[%add3A_13, %dma_wait3A_25] : memref<10240x16xf32, #tpu.memory_space<vmem_shared>> -> memref<128x16xf32, #tpu.memory_space<vmem_shared>>
      tpu.wait_dma2 semaphore(%run_scoped3A_20 : memref<!tpu.dma_semaphore, #tpu.memory_space<semaphore_mem>>) src(%arg5 : memref<128x16xf32, #tpu.memory_space<vmem>>) dst(%dma_wait3A_26 : memref<128x16xf32, #tpu.memory_space<vmem_shared>>)
      tpu.yield
    }) : () -> ()
    %barrier3A = arith.constant 0 : index
    tpu.barrier barrier_id(%barrier3A)
    %scan3A = arith.constant 0 : i32
    %scan3A_14 = arith.constant 0 : i32
    %scan3A_15 = arith.constant 10 : i32
    %scan3A_16 = arith.addi %scan3A_14, %scan3A_15 : i32
    %scan3A_17 = arith.constant 1 : i32
    scf.for %scan3A_20 = %scan3A_14 to %scan3A_16 step %scan3A_17  : i32 {
      %mul3A_21 = arith.constant 8 : i32
      %mul3A_22 = arith.muli %scan3A_20, %mul3A_21 : i32
      %add3A_23 = arith.constant 0 : i32
      %add3A_24 = arith.addi %mul3A_22, %add3A_23 : i32
      %dma_start3A = arith.constant 0 : i32
      %dma_start3A_25 = tpu.memref_slice %arg7[%add3A_24, %dma_start3A] : memref<80x128xi32, #tpu.memory_space<vmem>> -> memref<1x128xi32, #tpu.memory_space<vmem>>
      %dma_start3A_26 = tpu.memref_squeeze %dma_start3A_25 : memref<1x128xi32, #tpu.memory_space<vmem>> -> memref<128xi32, #tpu.memory_space<vmem>>
      %dma_start3A_27 = arith.constant 0 : i32
      %dma_start3A_28 = arith.constant 0 : i32
      %dma_start3A_29 = tpu.memref_slice %arg8[%dma_start3A_27, %dma_start3A_28] : memref<10240x16xf32, #tpu.memory_space<vmem_shared>> -> memref<10240x16xf32, #tpu.memory_space<vmem_shared>>
      tpu.enqueue_indirect_dma source(%arg6 : memref<128x16xf32, #tpu.memory_space<vmem>>) target(%dma_start3A_29 : memref<10240x16xf32, #tpu.memory_space<vmem_shared>>) offsets(%dma_start3A_26 : memref<128xi32, #tpu.memory_space<vmem>>) semaphore(%arg9 : memref<!tpu.dma_semaphore, #tpu.memory_space<semaphore_mem>>) {add = true}
      %add3A_30 = arith.constant 1 : i32
      %add3A_31 = arith.addi %mul3A_22, %add3A_30 : i32
      %dma_start3A_32 = arith.constant 0 : i32
      %dma_start3A_33 = tpu.memref_slice %arg7[%add3A_31, %dma_start3A_32] : memref<80x128xi32, #tpu.memory_space<vmem>> -> memref<1x128xi32, #tpu.memory_space<vmem>>
      %dma_start3A_34 = tpu.memref_squeeze %dma_start3A_33 : memref<1x128xi32, #tpu.memory_space<vmem>> -> memref<128xi32, #tpu.memory_space<vmem>>
      %dma_start3A_35 = arith.constant 0 : i32
      %dma_start3A_36 = arith.constant 0 : i32
      %dma_start3A_37 = tpu.memref_slice %arg8[%dma_start3A_35, %dma_start3A_36] : memref<10240x16xf32, #tpu.memory_space<vmem_shared>> -> memref<10240x16xf32, #tpu.memory_space<vmem_shared>>
      tpu.enqueue_indirect_dma source(%arg6 : memref<128x16xf32, #tpu.memory_space<vmem>>) target(%dma_start3A_37 : memref<10240x16xf32, #tpu.memory_space<vmem_shared>>) offsets(%dma_start3A_34 : memref<128xi32, #tpu.memory_space<vmem>>) semaphore(%arg9 : memref<!tpu.dma_semaphore, #tpu.memory_space<semaphore_mem>>) {add = true}
      %add3A_38 = arith.constant 2 : i32
      %add3A_39 = arith.addi %mul3A_22, %add3A_38 : i32
      %dma_start3A_40 = arith.constant 0 : i32
      %dma_start3A_41 = tpu.memref_slice %arg7[%add3A_39, %dma_start3A_40] : memref<80x128xi32, #tpu.memory_space<vmem>> -> memref<1x128xi32, #tpu.memory_space<vmem>>
      %dma_start3A_42 = tpu.memref_squeeze %dma_start3A_41 : memref<1x128xi32, #tpu.memory_space<vmem>> -> memref<128xi32, #tpu.memory_space<vmem>>
      %dma_start3A_43 = arith.constant 0 : i32
      %dma_start3A_44 = arith.constant 0 : i32
      %dma_start3A_45 = tpu.memref_slice %arg8[%dma_start3A_43, %dma_start3A_44] : memref<10240x16xf32, #tpu.memory_space<vmem_shared>> -> memref<10240x16xf32, #tpu.memory_space<vmem_shared>>
      tpu.enqueue_indirect_dma source(%arg6 : memref<128x16xf32, #tpu.memory_space<vmem>>) target(%dma_start3A_45 : memref<10240x16xf32, #tpu.memory_space<vmem_shared>>) offsets(%dma_start3A_42 : memref<128xi32, #tpu.memory_space<vmem>>) semaphore(%arg9 : memref<!tpu.dma_semaphore, #tpu.memory_space<semaphore_mem>>) {add = true}
      %add3A_46 = arith.constant 3 : i32
      %add3A_47 = arith.addi %mul3A_22, %add3A_46 : i32
      %dma_start3A_48 = arith.constant 0 : i32
      %dma_start3A_49 = tpu.memref_slice %arg7[%add3A_47, %dma_start3A_48] : memref<80x128xi32, #tpu.memory_space<vmem>> -> memref<1x128xi32, #tpu.memory_space<vmem>>
      %dma_start3A_50 = tpu.memref_squeeze %dma_start3A_49 : memref<1x128xi32, #tpu.memory_space<vmem>> -> memref<128xi32, #tpu.memory_space<vmem>>
      %dma_start3A_51 = arith.constant 0 : i32
      %dma_start3A_52 = arith.constant 0 : i32
      %dma_start3A_53 = tpu.memref_slice %arg8[%dma_start3A_51, %dma_start3A_52] : memref<10240x16xf32, #tpu.memory_space<vmem_shared>> -> memref<10240x16xf32, #tpu.memory_space<vmem_shared>>
      tpu.enqueue_indirect_dma source(%arg6 : memref<128x16xf32, #tpu.memory_space<vmem>>) target(%dma_start3A_53 : memref<10240x16xf32, #tpu.memory_space<vmem_shared>>) offsets(%dma_start3A_50 : memref<128xi32, #tpu.memory_space<vmem>>) semaphore(%arg9 : memref<!tpu.dma_semaphore, #tpu.memory_space<semaphore_mem>>) {add = true}
      %add3A_54 = arith.constant 4 : i32
      %add3A_55 = arith.addi %mul3A_22, %add3A_54 : i32
      %dma_start3A_56 = arith.constant 0 : i32
      %dma_start3A_57 = tpu.memref_slice %arg7[%add3A_55, %dma_start3A_56] : memref<80x128xi32, #tpu.memory_space<vmem>> -> memref<1x128xi32, #tpu.memory_space<vmem>>
      %dma_start3A_58 = tpu.memref_squeeze %dma_start3A_57 : memref<1x128xi32, #tpu.memory_space<vmem>> -> memref<128xi32, #tpu.memory_space<vmem>>
      %dma_start3A_59 = arith.constant 0 : i32
      %dma_start3A_60 = arith.constant 0 : i32
      %dma_start3A_61 = tpu.memref_slice %arg8[%dma_start3A_59, %dma_start3A_60] : memref<10240x16xf32, #tpu.memory_space<vmem_shared>> -> memref<10240x16xf32, #tpu.memory_space<vmem_shared>>
      tpu.enqueue_indirect_dma source(%arg6 : memref<128x16xf32, #tpu.memory_space<vmem>>) target(%dma_start3A_61 : memref<10240x16xf32, #tpu.memory_space<vmem_shared>>) offsets(%dma_start3A_58 : memref<128xi32, #tpu.memory_space<vmem>>) semaphore(%arg9 : memref<!tpu.dma_semaphore, #tpu.memory_space<semaphore_mem>>) {add = true}
      %add3A_62 = arith.constant 5 : i32
      %add3A_63 = arith.addi %mul3A_22, %add3A_62 : i32
      %dma_start3A_64 = arith.constant 0 : i32
      %dma_start3A_65 = tpu.memref_slice %arg7[%add3A_63, %dma_start3A_64] : memref<80x128xi32, #tpu.memory_space<vmem>> -> memref<1x128xi32, #tpu.memory_space<vmem>>
      %dma_start3A_66 = tpu.memref_squeeze %dma_start3A_65 : memref<1x128xi32, #tpu.memory_space<vmem>> -> memref<128xi32, #tpu.memory_space<vmem>>
      %dma_start3A_67 = arith.constant 0 : i32
      %dma_start3A_68 = arith.constant 0 : i32
      %dma_start3A_69 = tpu.memref_slice %arg8[%dma_start3A_67, %dma_start3A_68] : memref<10240x16xf32, #tpu.memory_space<vmem_shared>> -> memref<10240x16xf32, #tpu.memory_space<vmem_shared>>
      tpu.enqueue_indirect_dma source(%arg6 : memref<128x16xf32, #tpu.memory_space<vmem>>) target(%dma_start3A_69 : memref<10240x16xf32, #tpu.memory_space<vmem_shared>>) offsets(%dma_start3A_66 : memref<128xi32, #tpu.memory_space<vmem>>) semaphore(%arg9 : memref<!tpu.dma_semaphore, #tpu.memory_space<semaphore_mem>>) {add = true}
      %add3A_70 = arith.constant 6 : i32
      %add3A_71 = arith.addi %mul3A_22, %add3A_70 : i32
      %dma_start3A_72 = arith.constant 0 : i32
      %dma_start3A_73 = tpu.memref_slice %arg7[%add3A_71, %dma_start3A_72] : memref<80x128xi32, #tpu.memory_space<vmem>> -> memref<1x128xi32, #tpu.memory_space<vmem>>
      %dma_start3A_74 = tpu.memref_squeeze %dma_start3A_73 : memref<1x128xi32, #tpu.memory_space<vmem>> -> memref<128xi32, #tpu.memory_space<vmem>>
      %dma_start3A_75 = arith.constant 0 : i32
      %dma_start3A_76 = arith.constant 0 : i32
      %dma_start3A_77 = tpu.memref_slice %arg8[%dma_start3A_75, %dma_start3A_76] : memref<10240x16xf32, #tpu.memory_space<vmem_shared>> -> memref<10240x16xf32, #tpu.memory_space<vmem_shared>>
      tpu.enqueue_indirect_dma source(%arg6 : memref<128x16xf32, #tpu.memory_space<vmem>>) target(%dma_start3A_77 : memref<10240x16xf32, #tpu.memory_space<vmem_shared>>) offsets(%dma_start3A_74 : memref<128xi32, #tpu.memory_space<vmem>>) semaphore(%arg9 : memref<!tpu.dma_semaphore, #tpu.memory_space<semaphore_mem>>) {add = true}
      %add3A_78 = arith.constant 7 : i32
      %add3A_79 = arith.addi %mul3A_22, %add3A_78 : i32
      %dma_start3A_80 = arith.constant 0 : i32
      %dma_start3A_81 = tpu.memref_slice %arg7[%add3A_79, %dma_start3A_80] : memref<80x128xi32, #tpu.memory_space<vmem>> -> memref<1x128xi32, #tpu.memory_space<vmem>>
      %dma_start3A_82 = tpu.memref_squeeze %dma_start3A_81 : memref<1x128xi32, #tpu.memory_space<vmem>> -> memref<128xi32, #tpu.memory_space<vmem>>
      %dma_start3A_83 = arith.constant 0 : i32
      %dma_start3A_84 = arith.constant 0 : i32
      %dma_start3A_85 = tpu.memref_slice %arg8[%dma_start3A_83, %dma_start3A_84] : memref<10240x16xf32, #tpu.memory_space<vmem_shared>> -> memref<10240x16xf32, #tpu.memory_space<vmem_shared>>
      tpu.enqueue_indirect_dma source(%arg6 : memref<128x16xf32, #tpu.memory_space<vmem>>) target(%dma_start3A_85 : memref<10240x16xf32, #tpu.memory_space<vmem_shared>>) offsets(%dma_start3A_82 : memref<128xi32, #tpu.memory_space<vmem>>) semaphore(%arg9 : memref<!tpu.dma_semaphore, #tpu.memory_space<semaphore_mem>>) {add = true}
      %add3A_86 = arith.constant 0 : i32
      %add3A_87 = arith.addi %mul3A_22, %add3A_86 : i32
      %dma_wait3A = arith.constant 0 : i32
      %dma_wait3A_88 = tpu.memref_slice %arg7[%add3A_87, %dma_wait3A] : memref<80x128xi32, #tpu.memory_space<vmem>> -> memref<1x128xi32, #tpu.memory_space<vmem>>
      %dma_wait3A_89 = tpu.memref_squeeze %dma_wait3A_88 : memref<1x128xi32, #tpu.memory_space<vmem>> -> memref<128xi32, #tpu.memory_space<vmem>>
      %dma_wait3A_90 = arith.constant 0 : i32
      %dma_wait3A_91 = arith.constant 0 : i32
      %dma_wait3A_92 = tpu.memref_slice %arg8[%dma_wait3A_90, %dma_wait3A_91] : memref<10240x16xf32, #tpu.memory_space<vmem_shared>> -> memref<10240x16xf32, #tpu.memory_space<vmem_shared>>
      tpu.wait_indirect_dma semaphore(%arg9 : memref<!tpu.dma_semaphore, #tpu.memory_space<semaphore_mem>>) src(%arg6 : memref<128x16xf32, #tpu.memory_space<vmem>>) dst(%dma_wait3A_92 : memref<10240x16xf32, #tpu.memory_space<vmem_shared>>)
      %add3A_93 = arith.constant 1 : i32
      %add3A_94 = arith.addi %mul3A_22, %add3A_93 : i32
      %dma_wait3A_95 = arith.constant 0 : i32
      %dma_wait3A_96 = tpu.memref_slice %arg7[%add3A_94, %dma_wait3A_95] : memref<80x128xi32, #tpu.memory_space<vmem>> -> memref<1x128xi32, #tpu.memory_space<vmem>>
      %dma_wait3A_97 = tpu.memref_squeeze %dma_wait3A_96 : memref<1x128xi32, #tpu.memory_space<vmem>> -> memref<128xi32, #tpu.memory_space<vmem>>
      %dma_wait3A_98 = arith.constant 0 : i32
      %dma_wait3A_99 = arith.constant 0 : i32
      %dma_wait3A_100 = tpu.memref_slice %arg8[%dma_wait3A_98, %dma_wait3A_99] : memref<10240x16xf32, #tpu.memory_space<vmem_shared>> -> memref<10240x16xf32, #tpu.memory_space<vmem_shared>>
      tpu.wait_indirect_dma semaphore(%arg9 : memref<!tpu.dma_semaphore, #tpu.memory_space<semaphore_mem>>) src(%arg6 : memref<128x16xf32, #tpu.memory_space<vmem>>) dst(%dma_wait3A_100 : memref<10240x16xf32, #tpu.memory_space<vmem_shared>>)
      %add3A_101 = arith.constant 2 : i32
      %add3A_102 = arith.addi %mul3A_22, %add3A_101 : i32
      %dma_wait3A_103 = arith.constant 0 : i32
      %dma_wait3A_104 = tpu.memref_slice %arg7[%add3A_102, %dma_wait3A_103] : memref<80x128xi32, #tpu.memory_space<vmem>> -> memref<1x128xi32, #tpu.memory_space<vmem>>
      %dma_wait3A_105 = tpu.memref_squeeze %dma_wait3A_104 : memref<1x128xi32, #tpu.memory_space<vmem>> -> memref<128xi32, #tpu.memory_space<vmem>>
      %dma_wait3A_106 = arith.constant 0 : i32
      %dma_wait3A_107 = arith.constant 0 : i32
      %dma_wait3A_108 = tpu.memref_slice %arg8[%dma_wait3A_106, %dma_wait3A_107] : memref<10240x16xf32, #tpu.memory_space<vmem_shared>> -> memref<10240x16xf32, #tpu.memory_space<vmem_shared>>
      tpu.wait_indirect_dma semaphore(%arg9 : memref<!tpu.dma_semaphore, #tpu.memory_space<semaphore_mem>>) src(%arg6 : memref<128x16xf32, #tpu.memory_space<vmem>>) dst(%dma_wait3A_108 : memref<10240x16xf32, #tpu.memory_space<vmem_shared>>)
      %add3A_109 = arith.constant 3 : i32
      %add3A_110 = arith.addi %mul3A_22, %add3A_109 : i32
      %dma_wait3A_111 = arith.constant 0 : i32
      %dma_wait3A_112 = tpu.memref_slice %arg7[%add3A_110, %dma_wait3A_111] : memref<80x128xi32, #tpu.memory_space<vmem>> -> memref<1x128xi32, #tpu.memory_space<vmem>>
      %dma_wait3A_113 = tpu.memref_squeeze %dma_wait3A_112 : memref<1x128xi32, #tpu.memory_space<vmem>> -> memref<128xi32, #tpu.memory_space<vmem>>
      %dma_wait3A_114 = arith.constant 0 : i32
      %dma_wait3A_115 = arith.constant 0 : i32
      %dma_wait3A_116 = tpu.memref_slice %arg8[%dma_wait3A_114, %dma_wait3A_115] : memref<10240x16xf32, #tpu.memory_space<vmem_shared>> -> memref<10240x16xf32, #tpu.memory_space<vmem_shared>>
      tpu.wait_indirect_dma semaphore(%arg9 : memref<!tpu.dma_semaphore, #tpu.memory_space<semaphore_mem>>) src(%arg6 : memref<128x16xf32, #tpu.memory_space<vmem>>) dst(%dma_wait3A_116 : memref<10240x16xf32, #tpu.memory_space<vmem_shared>>)
      %add3A_117 = arith.constant 4 : i32
      %add3A_118 = arith.addi %mul3A_22, %add3A_117 : i32
      %dma_wait3A_119 = arith.constant 0 : i32
      %dma_wait3A_120 = tpu.memref_slice %arg7[%add3A_118, %dma_wait3A_119] : memref<80x128xi32, #tpu.memory_space<vmem>> -> memref<1x128xi32, #tpu.memory_space<vmem>>
      %dma_wait3A_121 = tpu.memref_squeeze %dma_wait3A_120 : memref<1x128xi32, #tpu.memory_space<vmem>> -> memref<128xi32, #tpu.memory_space<vmem>>
      %dma_wait3A_122 = arith.constant 0 : i32
      %dma_wait3A_123 = arith.constant 0 : i32
      %dma_wait3A_124 = tpu.memref_slice %arg8[%dma_wait3A_122, %dma_wait3A_123] : memref<10240x16xf32, #tpu.memory_space<vmem_shared>> -> memref<10240x16xf32, #tpu.memory_space<vmem_shared>>
      tpu.wait_indirect_dma semaphore(%arg9 : memref<!tpu.dma_semaphore, #tpu.memory_space<semaphore_mem>>) src(%arg6 : memref<128x16xf32, #tpu.memory_space<vmem>>) dst(%dma_wait3A_124 : memref<10240x16xf32, #tpu.memory_space<vmem_shared>>)
      %add3A_125 = arith.constant 5 : i32
      %add3A_126 = arith.addi %mul3A_22, %add3A_125 : i32
      %dma_wait3A_127 = arith.constant 0 : i32
      %dma_wait3A_128 = tpu.memref_slice %arg7[%add3A_126, %dma_wait3A_127] : memref<80x128xi32, #tpu.memory_space<vmem>> -> memref<1x128xi32, #tpu.memory_space<vmem>>
      %dma_wait3A_129 = tpu.memref_squeeze %dma_wait3A_128 : memref<1x128xi32, #tpu.memory_space<vmem>> -> memref<128xi32, #tpu.memory_space<vmem>>
      %dma_wait3A_130 = arith.constant 0 : i32
      %dma_wait3A_131 = arith.constant 0 : i32
      %dma_wait3A_132 = tpu.memref_slice %arg8[%dma_wait3A_130, %dma_wait3A_131] : memref<10240x16xf32, #tpu.memory_space<vmem_shared>> -> memref<10240x16xf32, #tpu.memory_space<vmem_shared>>
      tpu.wait_indirect_dma semaphore(%arg9 : memref<!tpu.dma_semaphore, #tpu.memory_space<semaphore_mem>>) src(%arg6 : memref<128x16xf32, #tpu.memory_space<vmem>>) dst(%dma_wait3A_132 : memref<10240x16xf32, #tpu.memory_space<vmem_shared>>)
      %add3A_133 = arith.constant 6 : i32
      %add3A_134 = arith.addi %mul3A_22, %add3A_133 : i32
      %dma_wait3A_135 = arith.constant 0 : i32
      %dma_wait3A_136 = tpu.memref_slice %arg7[%add3A_134, %dma_wait3A_135] : memref<80x128xi32, #tpu.memory_space<vmem>> -> memref<1x128xi32, #tpu.memory_space<vmem>>
      %dma_wait3A_137 = tpu.memref_squeeze %dma_wait3A_136 : memref<1x128xi32, #tpu.memory_space<vmem>> -> memref<128xi32, #tpu.memory_space<vmem>>
      %dma_wait3A_138 = arith.constant 0 : i32
      %dma_wait3A_139 = arith.constant 0 : i32
      %dma_wait3A_140 = tpu.memref_slice %arg8[%dma_wait3A_138, %dma_wait3A_139] : memref<10240x16xf32, #tpu.memory_space<vmem_shared>> -> memref<10240x16xf32, #tpu.memory_space<vmem_shared>>
      tpu.wait_indirect_dma semaphore(%arg9 : memref<!tpu.dma_semaphore, #tpu.memory_space<semaphore_mem>>) src(%arg6 : memref<128x16xf32, #tpu.memory_space<vmem>>) dst(%dma_wait3A_140 : memref<10240x16xf32, #tpu.memory_space<vmem_shared>>)
      %add3A_141 = arith.constant 7 : i32
      %add3A_142 = arith.addi %mul3A_22, %add3A_141 : i32
      %dma_wait3A_143 = arith.constant 0 : i32
      %dma_wait3A_144 = tpu.memref_slice %arg7[%add3A_142, %dma_wait3A_143] : memref<80x128xi32, #tpu.memory_space<vmem>> -> memref<1x128xi32, #tpu.memory_space<vmem>>
      %dma_wait3A_145 = tpu.memref_squeeze %dma_wait3A_144 : memref<1x128xi32, #tpu.memory_space<vmem>> -> memref<128xi32, #tpu.memory_space<vmem>>
      %dma_wait3A_146 = arith.constant 0 : i32
      %dma_wait3A_147 = arith.constant 0 : i32
      %dma_wait3A_148 = tpu.memref_slice %arg8[%dma_wait3A_146, %dma_wait3A_147] : memref<10240x16xf32, #tpu.memory_space<vmem_shared>> -> memref<10240x16xf32, #tpu.memory_space<vmem_shared>>
      tpu.wait_indirect_dma semaphore(%arg9 : memref<!tpu.dma_semaphore, #tpu.memory_space<semaphore_mem>>) src(%arg6 : memref<128x16xf32, #tpu.memory_space<vmem>>) dst(%dma_wait3A_148 : memref<10240x16xf32, #tpu.memory_space<vmem_shared>>)
    }
    %scan3A_18 = arith.constant 10 : i32
    %barrier3A_19 = arith.constant 0 : index
    tpu.barrier barrier_id(%barrier3A_19)
    "tpu.region"() ({
      %run_scoped3A_20 = tpu.sem_alloc : memref<!tpu.dma_semaphore, #tpu.memory_space<semaphore_mem>>
      %dma_start3A = arith.constant 0 : i32
      %dma_start3A_21 = tpu.memref_slice %arg4[%arg0, %mul3A_3, %dma_start3A] : memref<2x10240x16xf32, #tpu.memory_space<hbm>> -> memref<1x640x16xf32, #tpu.memory_space<hbm>>
      %dma_start3A_22 = tpu.memref_squeeze %dma_start3A_21 : memref<1x640x16xf32, #tpu.memory_space<hbm>> -> memref<640x16xf32, #tpu.memory_space<hbm>>
      %dma_start3A_23 = arith.constant 0 : i32
      %dma_start3A_24 = tpu.memref_slice %arg8[%mul3A_3, %dma_start3A_23] : memref<10240x16xf32, #tpu.memory_space<vmem_shared>> -> memref<640x16xf32, #tpu.memory_space<vmem_shared>>
      tpu.enqueue_dma source(%dma_start3A_24 : memref<640x16xf32, #tpu.memory_space<vmem_shared>>) target(%dma_start3A_22 : memref<640x16xf32, #tpu.memory_space<hbm>>) target_semaphore(%run_scoped3A_20 : memref<!tpu.dma_semaphore, #tpu.memory_space<semaphore_mem>>)
      %dma_wait3A = arith.constant 0 : i32
      %dma_wait3A_25 = tpu.memref_slice %arg4[%arg0, %mul3A_3, %dma_wait3A] : memref<2x10240x16xf32, #tpu.memory_space<hbm>> -> memref<1x640x16xf32, #tpu.memory_space<hbm>>
      %dma_wait3A_26 = tpu.memref_squeeze %dma_wait3A_25 : memref<1x640x16xf32, #tpu.memory_space<hbm>> -> memref<640x16xf32, #tpu.memory_space<hbm>>
      %dma_wait3A_27 = arith.constant 0 : i32
      %dma_wait3A_28 = tpu.memref_slice %arg8[%mul3A_3, %dma_wait3A_27] : memref<10240x16xf32, #tpu.memory_space<vmem_shared>> -> memref<640x16xf32, #tpu.memory_space<vmem_shared>>
      tpu.wait_dma2 semaphore(%run_scoped3A_20 : memref<!tpu.dma_semaphore, #tpu.memory_space<semaphore_mem>>) src(%dma_wait3A_28 : memref<640x16xf32, #tpu.memory_space<vmem_shared>>) dst(%dma_wait3A_26 : memref<640x16xf32, #tpu.memory_space<hbm>>)
      tpu.yield
    }) : () -> ()
    return
  }
}

#map = affine_map<(d0, d1) -> (0, 0, 0)>
#map1 = affine_map<(d0, d1) -> (0, 0)>
module attributes {stable_mosaic.version = 14 : i64} {
  func.func @_sc_aggregate(%arg0: i32, %arg1: i32, %arg2: memref<2500x2x128xi32, #tpu.memory_space<hbm>>, %arg3: memref<10000x128xf32, #tpu.memory_space<hbm>>, %arg4: memref<128x128xf32, #tpu.memory_space<hbm>>, %arg5: memref<2x10240x128xf32, #tpu.memory_space<hbm>>, %arg6: memref<2x128xi32, #tpu.memory_space<vmem>>, %arg7: memref<2x128xi32, #tpu.memory_space<vmem>>, %arg8: memref<128x128xf32, #tpu.memory_space<vmem>>, %arg9: memref<128x128xf32, #tpu.memory_space<vmem>>, %arg10: memref<10240x128xf32, #tpu.memory_space<vmem_shared>>, %arg11: memref<!tpu.dma_semaphore, #tpu.memory_space<semaphore_mem>>, %arg12: memref<!tpu.dma_semaphore, #tpu.memory_space<semaphore_mem>>, %arg13: memref<!tpu.dma_semaphore, #tpu.memory_space<semaphore_mem>>) attributes {dimension_semantics = [#tpu.dimension_semantics<core_parallel>, #tpu.dimension_semantics<subcore_parallel>], iteration_bounds = array<i64: 2, 16>, scalar_prefetch = 0 : i64, scratch_operands = 8 : i64, tpu.core_type = #tpu.core_type<sc_vector_subcore>, window_params = [{transform_indices = #map}, {transform_indices = #map1}, {transform_indices = #map1}, {transform_indices = #map}]} {
    %mul3A = arith.constant 2 : i32
    %mul3A_0 = arith.muli %arg1, %mul3A : i32
    %add3A = arith.addi %mul3A_0, %arg0 : i32
    %mul3A_1 = arith.constant 78 : i32
    %mul3A_2 = arith.muli %add3A, %mul3A_1 : i32
    %min3A = arith.constant 4 : i32
    %min3A_3 = arith.minsi %add3A, %min3A : i32
    %add3A_4 = arith.addi %mul3A_2, %min3A_3 : i32
    "tpu.region"() ({
      %run_scoped3A = tpu.sem_alloc : memref<!tpu.dma_semaphore, #tpu.memory_space<semaphore_mem>>
      %dma_start3A_41 = arith.constant 0 : i32
      %dma_start3A_42 = arith.constant 0 : i32
      %dma_start3A_43 = tpu.memref_slice %arg2[%add3A_4, %dma_start3A_41, %dma_start3A_42] : memref<2500x2x128xi32, #tpu.memory_space<hbm>> -> memref<1x2x128xi32, #tpu.memory_space<hbm>>
      %dma_start3A_44 = tpu.memref_squeeze %dma_start3A_43 : memref<1x2x128xi32, #tpu.memory_space<hbm>> -> memref<2x128xi32, #tpu.memory_space<hbm>>
      %dma_start3A_45 = arith.constant 0 : i32
      %dma_start3A_46 = arith.constant 0 : i32
      %dma_start3A_47 = tpu.memref_slice %arg2[%add3A_4, %dma_start3A_45, %dma_start3A_46] : memref<2500x2x128xi32, #tpu.memory_space<hbm>> -> memref<1x2x128xi32, #tpu.memory_space<hbm>>
      %dma_start3A_48 = tpu.memref_squeeze %dma_start3A_47 : memref<1x2x128xi32, #tpu.memory_space<hbm>> -> memref<2x128xi32, #tpu.memory_space<hbm>>
      tpu.enqueue_dma source(%dma_start3A_48 : memref<2x128xi32, #tpu.memory_space<hbm>>) target(%arg6 : memref<2x128xi32, #tpu.memory_space<vmem>>) target_semaphore(%run_scoped3A : memref<!tpu.dma_semaphore, #tpu.memory_space<semaphore_mem>>)
      %dma_wait3A = arith.constant 0 : i32
      %dma_wait3A_49 = arith.constant 0 : i32
      %dma_wait3A_50 = tpu.memref_slice %arg2[%add3A_4, %dma_wait3A, %dma_wait3A_49] : memref<2500x2x128xi32, #tpu.memory_space<hbm>> -> memref<1x2x128xi32, #tpu.memory_space<hbm>>
      %dma_wait3A_51 = tpu.memref_squeeze %dma_wait3A_50 : memref<1x2x128xi32, #tpu.memory_space<hbm>> -> memref<2x128xi32, #tpu.memory_space<hbm>>
      %dma_wait3A_52 = arith.constant 0 : i32
      %dma_wait3A_53 = arith.constant 0 : i32
      %dma_wait3A_54 = tpu.memref_slice %arg2[%add3A_4, %dma_wait3A_52, %dma_wait3A_53] : memref<2500x2x128xi32, #tpu.memory_space<hbm>> -> memref<1x2x128xi32, #tpu.memory_space<hbm>>
      %dma_wait3A_55 = tpu.memref_squeeze %dma_wait3A_54 : memref<1x2x128xi32, #tpu.memory_space<hbm>> -> memref<2x128xi32, #tpu.memory_space<hbm>>
      tpu.wait_dma2 semaphore(%run_scoped3A : memref<!tpu.dma_semaphore, #tpu.memory_space<semaphore_mem>>) src(%dma_wait3A_55 : memref<2x128xi32, #tpu.memory_space<hbm>>) dst(%arg6 : memref<2x128xi32, #tpu.memory_space<vmem>>)
      tpu.yield
    }) : () -> ()
    %add3A_5 = arith.constant 1 : i32
    %add3A_6 = arith.addi %add3A_4, %add3A_5 : i32
    %dma_start3A = arith.constant 0 : i32
    %dma_start3A_7 = arith.constant 0 : i32
    %dma_start3A_8 = tpu.memref_slice %arg2[%add3A_6, %dma_start3A, %dma_start3A_7] : memref<2500x2x128xi32, #tpu.memory_space<hbm>> -> memref<1x2x128xi32, #tpu.memory_space<hbm>>
    %dma_start3A_9 = tpu.memref_squeeze %dma_start3A_8 : memref<1x2x128xi32, #tpu.memory_space<hbm>> -> memref<2x128xi32, #tpu.memory_space<hbm>>
    %dma_start3A_10 = arith.constant 0 : i32
    %dma_start3A_11 = arith.constant 0 : i32
    %dma_start3A_12 = tpu.memref_slice %arg2[%add3A_6, %dma_start3A_10, %dma_start3A_11] : memref<2500x2x128xi32, #tpu.memory_space<hbm>> -> memref<1x2x128xi32, #tpu.memory_space<hbm>>
    %dma_start3A_13 = tpu.memref_squeeze %dma_start3A_12 : memref<1x2x128xi32, #tpu.memory_space<hbm>> -> memref<2x128xi32, #tpu.memory_space<hbm>>
    tpu.enqueue_dma source(%dma_start3A_13 : memref<2x128xi32, #tpu.memory_space<hbm>>) target(%arg7 : memref<2x128xi32, #tpu.memory_space<vmem>>) target_semaphore(%arg13 : memref<!tpu.dma_semaphore, #tpu.memory_space<semaphore_mem>>)
    %dma_start3A_14 = arith.constant 0 : i32
    %dma_start3A_15 = arith.constant 0 : i32
    %dma_start3A_16 = tpu.memref_slice %arg6[%dma_start3A_14, %dma_start3A_15] : memref<2x128xi32, #tpu.memory_space<vmem>> -> memref<1x128xi32, #tpu.memory_space<vmem>>
    %dma_start3A_17 = tpu.memref_squeeze %dma_start3A_16 : memref<1x128xi32, #tpu.memory_space<vmem>> -> memref<128xi32, #tpu.memory_space<vmem>>
    %dma_start3A_18 = arith.constant 0 : i32
    %dma_start3A_19 = arith.constant 0 : i32
    %dma_start3A_20 = tpu.memref_slice %arg3[%dma_start3A_18, %dma_start3A_19] : memref<10000x128xf32, #tpu.memory_space<hbm>> -> memref<10000x128xf32, #tpu.memory_space<hbm>>
    tpu.enqueue_indirect_dma source(%dma_start3A_20 : memref<10000x128xf32, #tpu.memory_space<hbm>>) target(%arg8 : memref<128x128xf32, #tpu.memory_space<vmem>>) offsets(%dma_start3A_17 : memref<128xi32, #tpu.memory_space<vmem>>) semaphore(%arg11 : memref<!tpu.dma_semaphore, #tpu.memory_space<semaphore_mem>>)
    "tpu.region"() ({
      %run_scoped3A = tpu.sem_alloc : memref<!tpu.dma_semaphore, #tpu.memory_space<semaphore_mem>>
      tpu.enqueue_dma source(%arg4 : memref<128x128xf32, #tpu.memory_space<hbm>>) target(%arg9 : memref<128x128xf32, #tpu.memory_space<vmem>>) target_semaphore(%run_scoped3A : memref<!tpu.dma_semaphore, #tpu.memory_space<semaphore_mem>>)
      tpu.wait_dma2 semaphore(%run_scoped3A : memref<!tpu.dma_semaphore, #tpu.memory_space<semaphore_mem>>) src(%arg4 : memref<128x128xf32, #tpu.memory_space<hbm>>) dst(%arg9 : memref<128x128xf32, #tpu.memory_space<vmem>>)
      tpu.yield
    }) : () -> ()
    %mul3A_21 = arith.constant 640 : i32
    %mul3A_22 = arith.muli %arg1, %mul3A_21 : i32
    %add3A_23 = arith.constant 0 : i32
    %add3A_24 = arith.addi %mul3A_22, %add3A_23 : i32
    "tpu.region"() ({
      %run_scoped3A = tpu.sem_alloc : memref<!tpu.dma_semaphore, #tpu.memory_space<semaphore_mem>>
      %dma_start3A_41 = arith.constant 0 : i32
      %dma_start3A_42 = tpu.memref_slice %arg10[%add3A_24, %dma_start3A_41] : memref<10240x128xf32, #tpu.memory_space<vmem_shared>> -> memref<128x128xf32, #tpu.memory_space<vmem_shared>>
      %dma_start3A_43 = arith.constant 0 : i32
      %dma_start3A_44 = tpu.memref_slice %arg10[%add3A_24, %dma_start3A_43] : memref<10240x128xf32, #tpu.memory_space<vmem_shared>> -> memref<128x128xf32, #tpu.memory_space<vmem_shared>>
      tpu.enqueue_dma source(%arg9 : memref<128x128xf32, #tpu.memory_space<vmem>>) target(%dma_start3A_44 : memref<128x128xf32, #tpu.memory_space<vmem_shared>>) target_semaphore(%run_scoped3A : memref<!tpu.dma_semaphore, #tpu.memory_space<semaphore_mem>>)
      %dma_wait3A = arith.constant 0 : i32
      %dma_wait3A_45 = tpu.memref_slice %arg10[%add3A_24, %dma_wait3A] : memref<10240x128xf32, #tpu.memory_space<vmem_shared>> -> memref<128x128xf32, #tpu.memory_space<vmem_shared>>
      %dma_wait3A_46 = arith.constant 0 : i32
      %dma_wait3A_47 = tpu.memref_slice %arg10[%add3A_24, %dma_wait3A_46] : memref<10240x128xf32, #tpu.memory_space<vmem_shared>> -> memref<128x128xf32, #tpu.memory_space<vmem_shared>>
      tpu.wait_dma2 semaphore(%run_scoped3A : memref<!tpu.dma_semaphore, #tpu.memory_space<semaphore_mem>>) src(%arg9 : memref<128x128xf32, #tpu.memory_space<vmem>>) dst(%dma_wait3A_47 : memref<128x128xf32, #tpu.memory_space<vmem_shared>>)
      tpu.yield
    }) : () -> ()
    %add3A_25 = arith.constant 128 : i32
    %add3A_26 = arith.addi %mul3A_22, %add3A_25 : i32
    "tpu.region"() ({
      %run_scoped3A = tpu.sem_alloc : memref<!tpu.dma_semaphore, #tpu.memory_space<semaphore_mem>>
      %dma_start3A_41 = arith.constant 0 : i32
      %dma_start3A_42 = tpu.memref_slice %arg10[%add3A_26, %dma_start3A_41] : memref<10240x128xf32, #tpu.memory_space<vmem_shared>> -> memref<128x128xf32, #tpu.memory_space<vmem_shared>>
      %dma_start3A_43 = arith.constant 0 : i32
      %dma_start3A_44 = tpu.memref_slice %arg10[%add3A_26, %dma_start3A_43] : memref<10240x128xf32, #tpu.memory_space<vmem_shared>> -> memref<128x128xf32, #tpu.memory_space<vmem_shared>>
      tpu.enqueue_dma source(%arg9 : memref<128x128xf32, #tpu.memory_space<vmem>>) target(%dma_start3A_44 : memref<128x128xf32, #tpu.memory_space<vmem_shared>>) target_semaphore(%run_scoped3A : memref<!tpu.dma_semaphore, #tpu.memory_space<semaphore_mem>>)
      %dma_wait3A = arith.constant 0 : i32
      %dma_wait3A_45 = tpu.memref_slice %arg10[%add3A_26, %dma_wait3A] : memref<10240x128xf32, #tpu.memory_space<vmem_shared>> -> memref<128x128xf32, #tpu.memory_space<vmem_shared>>
      %dma_wait3A_46 = arith.constant 0 : i32
      %dma_wait3A_47 = tpu.memref_slice %arg10[%add3A_26, %dma_wait3A_46] : memref<10240x128xf32, #tpu.memory_space<vmem_shared>> -> memref<128x128xf32, #tpu.memory_space<vmem_shared>>
      tpu.wait_dma2 semaphore(%run_scoped3A : memref<!tpu.dma_semaphore, #tpu.memory_space<semaphore_mem>>) src(%arg9 : memref<128x128xf32, #tpu.memory_space<vmem>>) dst(%dma_wait3A_47 : memref<128x128xf32, #tpu.memory_space<vmem_shared>>)
      tpu.yield
    }) : () -> ()
    %add3A_27 = arith.constant 256 : i32
    %add3A_28 = arith.addi %mul3A_22, %add3A_27 : i32
    "tpu.region"() ({
      %run_scoped3A = tpu.sem_alloc : memref<!tpu.dma_semaphore, #tpu.memory_space<semaphore_mem>>
      %dma_start3A_41 = arith.constant 0 : i32
      %dma_start3A_42 = tpu.memref_slice %arg10[%add3A_28, %dma_start3A_41] : memref<10240x128xf32, #tpu.memory_space<vmem_shared>> -> memref<128x128xf32, #tpu.memory_space<vmem_shared>>
      %dma_start3A_43 = arith.constant 0 : i32
      %dma_start3A_44 = tpu.memref_slice %arg10[%add3A_28, %dma_start3A_43] : memref<10240x128xf32, #tpu.memory_space<vmem_shared>> -> memref<128x128xf32, #tpu.memory_space<vmem_shared>>
      tpu.enqueue_dma source(%arg9 : memref<128x128xf32, #tpu.memory_space<vmem>>) target(%dma_start3A_44 : memref<128x128xf32, #tpu.memory_space<vmem_shared>>) target_semaphore(%run_scoped3A : memref<!tpu.dma_semaphore, #tpu.memory_space<semaphore_mem>>)
      %dma_wait3A = arith.constant 0 : i32
      %dma_wait3A_45 = tpu.memref_slice %arg10[%add3A_28, %dma_wait3A] : memref<10240x128xf32, #tpu.memory_space<vmem_shared>> -> memref<128x128xf32, #tpu.memory_space<vmem_shared>>
      %dma_wait3A_46 = arith.constant 0 : i32
      %dma_wait3A_47 = tpu.memref_slice %arg10[%add3A_28, %dma_wait3A_46] : memref<10240x128xf32, #tpu.memory_space<vmem_shared>> -> memref<128x128xf32, #tpu.memory_space<vmem_shared>>
      tpu.wait_dma2 semaphore(%run_scoped3A : memref<!tpu.dma_semaphore, #tpu.memory_space<semaphore_mem>>) src(%arg9 : memref<128x128xf32, #tpu.memory_space<vmem>>) dst(%dma_wait3A_47 : memref<128x128xf32, #tpu.memory_space<vmem_shared>>)
      tpu.yield
    }) : () -> ()
    %add3A_29 = arith.constant 384 : i32
    %add3A_30 = arith.addi %mul3A_22, %add3A_29 : i32
    "tpu.region"() ({
      %run_scoped3A = tpu.sem_alloc : memref<!tpu.dma_semaphore, #tpu.memory_space<semaphore_mem>>
      %dma_start3A_41 = arith.constant 0 : i32
      %dma_start3A_42 = tpu.memref_slice %arg10[%add3A_30, %dma_start3A_41] : memref<10240x128xf32, #tpu.memory_space<vmem_shared>> -> memref<128x128xf32, #tpu.memory_space<vmem_shared>>
      %dma_start3A_43 = arith.constant 0 : i32
      %dma_start3A_44 = tpu.memref_slice %arg10[%add3A_30, %dma_start3A_43] : memref<10240x128xf32, #tpu.memory_space<vmem_shared>> -> memref<128x128xf32, #tpu.memory_space<vmem_shared>>
      tpu.enqueue_dma source(%arg9 : memref<128x128xf32, #tpu.memory_space<vmem>>) target(%dma_start3A_44 : memref<128x128xf32, #tpu.memory_space<vmem_shared>>) target_semaphore(%run_scoped3A : memref<!tpu.dma_semaphore, #tpu.memory_space<semaphore_mem>>)
      %dma_wait3A = arith.constant 0 : i32
      %dma_wait3A_45 = tpu.memref_slice %arg10[%add3A_30, %dma_wait3A] : memref<10240x128xf32, #tpu.memory_space<vmem_shared>> -> memref<128x128xf32, #tpu.memory_space<vmem_shared>>
      %dma_wait3A_46 = arith.constant 0 : i32
      %dma_wait3A_47 = tpu.memref_slice %arg10[%add3A_30, %dma_wait3A_46] : memref<10240x128xf32, #tpu.memory_space<vmem_shared>> -> memref<128x128xf32, #tpu.memory_space<vmem_shared>>
      tpu.wait_dma2 semaphore(%run_scoped3A : memref<!tpu.dma_semaphore, #tpu.memory_space<semaphore_mem>>) src(%arg9 : memref<128x128xf32, #tpu.memory_space<vmem>>) dst(%dma_wait3A_47 : memref<128x128xf32, #tpu.memory_space<vmem_shared>>)
      tpu.yield
    }) : () -> ()
    %add3A_31 = arith.constant 512 : i32
    %add3A_32 = arith.addi %mul3A_22, %add3A_31 : i32
    "tpu.region"() ({
      %run_scoped3A = tpu.sem_alloc : memref<!tpu.dma_semaphore, #tpu.memory_space<semaphore_mem>>
      %dma_start3A_41 = arith.constant 0 : i32
      %dma_start3A_42 = tpu.memref_slice %arg10[%add3A_32, %dma_start3A_41] : memref<10240x128xf32, #tpu.memory_space<vmem_shared>> -> memref<128x128xf32, #tpu.memory_space<vmem_shared>>
      %dma_start3A_43 = arith.constant 0 : i32
      %dma_start3A_44 = tpu.memref_slice %arg10[%add3A_32, %dma_start3A_43] : memref<10240x128xf32, #tpu.memory_space<vmem_shared>> -> memref<128x128xf32, #tpu.memory_space<vmem_shared>>
      tpu.enqueue_dma source(%arg9 : memref<128x128xf32, #tpu.memory_space<vmem>>) target(%dma_start3A_44 : memref<128x128xf32, #tpu.memory_space<vmem_shared>>) target_semaphore(%run_scoped3A : memref<!tpu.dma_semaphore, #tpu.memory_space<semaphore_mem>>)
      %dma_wait3A = arith.constant 0 : i32
      %dma_wait3A_45 = tpu.memref_slice %arg10[%add3A_32, %dma_wait3A] : memref<10240x128xf32, #tpu.memory_space<vmem_shared>> -> memref<128x128xf32, #tpu.memory_space<vmem_shared>>
      %dma_wait3A_46 = arith.constant 0 : i32
      %dma_wait3A_47 = tpu.memref_slice %arg10[%add3A_32, %dma_wait3A_46] : memref<10240x128xf32, #tpu.memory_space<vmem_shared>> -> memref<128x128xf32, #tpu.memory_space<vmem_shared>>
      tpu.wait_dma2 semaphore(%run_scoped3A : memref<!tpu.dma_semaphore, #tpu.memory_space<semaphore_mem>>) src(%arg9 : memref<128x128xf32, #tpu.memory_space<vmem>>) dst(%dma_wait3A_47 : memref<128x128xf32, #tpu.memory_space<vmem_shared>>)
      tpu.yield
    }) : () -> ()
    %barrier3A = arith.constant 0 : index
    tpu.barrier barrier_id(%barrier3A)
    %scan3A = arith.constant 0 : i32
    %scan3A_33 = arith.constant 0 : i32
    %scan3A_34 = arith.constant 39 : i32
    %scan3A_35 = arith.addi %scan3A_33, %scan3A_34 : i32
    %scan3A_36 = arith.constant 1 : i32
    scf.for %scan3A_41 = %scan3A_33 to %scan3A_35 step %scan3A_36  : i32 {
      %mul3A_42 = arith.constant 2 : i32
      %mul3A_43 = arith.muli %mul3A_42, %scan3A_41 : i32
      %add3A_44 = arith.addi %add3A_4, %mul3A_43 : i32
      %add3A_45 = arith.constant 1 : i32
      %add3A_46 = arith.addi %scan3A_41, %add3A_45 : i32
      %lt3A_47 = arith.constant 39 : i32
      %lt3A_48 = arith.cmpi slt, %add3A_46, %lt3A_47 : i32
      %add3A_49 = arith.constant 1 : i32
      %add3A_50 = arith.addi %add3A_44, %add3A_49 : i32
      %dma_wait3A = arith.constant 0 : i32
      %dma_wait3A_51 = arith.constant 0 : i32
      %dma_wait3A_52 = tpu.memref_slice %arg2[%add3A_50, %dma_wait3A, %dma_wait3A_51] : memref<2500x2x128xi32, #tpu.memory_space<hbm>> -> memref<1x2x128xi32, #tpu.memory_space<hbm>>
      %dma_wait3A_53 = tpu.memref_squeeze %dma_wait3A_52 : memref<1x2x128xi32, #tpu.memory_space<hbm>> -> memref<2x128xi32, #tpu.memory_space<hbm>>
      %dma_wait3A_54 = arith.constant 0 : i32
      %dma_wait3A_55 = arith.constant 0 : i32
      %dma_wait3A_56 = tpu.memref_slice %arg2[%add3A_50, %dma_wait3A_54, %dma_wait3A_55] : memref<2500x2x128xi32, #tpu.memory_space<hbm>> -> memref<1x2x128xi32, #tpu.memory_space<hbm>>
      %dma_wait3A_57 = tpu.memref_squeeze %dma_wait3A_56 : memref<1x2x128xi32, #tpu.memory_space<hbm>> -> memref<2x128xi32, #tpu.memory_space<hbm>>
      tpu.wait_dma2 semaphore(%arg13 : memref<!tpu.dma_semaphore, #tpu.memory_space<semaphore_mem>>) src(%dma_wait3A_57 : memref<2x128xi32, #tpu.memory_space<hbm>>) dst(%arg7 : memref<2x128xi32, #tpu.memory_space<vmem>>)
      %dma_start3A_58 = arith.constant 0 : i32
      %dma_start3A_59 = arith.constant 0 : i32
      %dma_start3A_60 = tpu.memref_slice %arg7[%dma_start3A_58, %dma_start3A_59] : memref<2x128xi32, #tpu.memory_space<vmem>> -> memref<1x128xi32, #tpu.memory_space<vmem>>
      %dma_start3A_61 = tpu.memref_squeeze %dma_start3A_60 : memref<1x128xi32, #tpu.memory_space<vmem>> -> memref<128xi32, #tpu.memory_space<vmem>>
      %dma_start3A_62 = arith.constant 0 : i32
      %dma_start3A_63 = arith.constant 0 : i32
      %dma_start3A_64 = tpu.memref_slice %arg3[%dma_start3A_62, %dma_start3A_63] : memref<10000x128xf32, #tpu.memory_space<hbm>> -> memref<10000x128xf32, #tpu.memory_space<hbm>>
      tpu.enqueue_indirect_dma source(%dma_start3A_64 : memref<10000x128xf32, #tpu.memory_space<hbm>>) target(%arg9 : memref<128x128xf32, #tpu.memory_space<vmem>>) offsets(%dma_start3A_61 : memref<128xi32, #tpu.memory_space<vmem>>) semaphore(%arg12 : memref<!tpu.dma_semaphore, #tpu.memory_space<semaphore_mem>>)
      %dma_wait3A_65 = arith.constant 0 : i32
      %dma_wait3A_66 = arith.constant 0 : i32
      %dma_wait3A_67 = tpu.memref_slice %arg6[%dma_wait3A_65, %dma_wait3A_66] : memref<2x128xi32, #tpu.memory_space<vmem>> -> memref<1x128xi32, #tpu.memory_space<vmem>>
      %dma_wait3A_68 = tpu.memref_squeeze %dma_wait3A_67 : memref<1x128xi32, #tpu.memory_space<vmem>> -> memref<128xi32, #tpu.memory_space<vmem>>
      %dma_wait3A_69 = arith.constant 0 : i32
      %dma_wait3A_70 = arith.constant 0 : i32
      %dma_wait3A_71 = tpu.memref_slice %arg3[%dma_wait3A_69, %dma_wait3A_70] : memref<10000x128xf32, #tpu.memory_space<hbm>> -> memref<10000x128xf32, #tpu.memory_space<hbm>>
      tpu.wait_indirect_dma semaphore(%arg11 : memref<!tpu.dma_semaphore, #tpu.memory_space<semaphore_mem>>) src(%dma_wait3A_71 : memref<10000x128xf32, #tpu.memory_space<hbm>>) dst(%arg8 : memref<128x128xf32, #tpu.memory_space<vmem>>)
      %run_scoped3A = arith.constant 1 : i32
      "tpu.region"() ({
        %run_scoped3A_86 = tpu.sem_alloc : memref<!tpu.dma_semaphore, #tpu.memory_space<semaphore_mem>>
        %dma_start3A_87 = arith.constant 0 : i32
        %dma_start3A_88 = tpu.memref_slice %arg6[%run_scoped3A, %dma_start3A_87] : memref<2x128xi32, #tpu.memory_space<vmem>> -> memref<1x128xi32, #tpu.memory_space<vmem>>
        %dma_start3A_89 = tpu.memref_squeeze %dma_start3A_88 : memref<1x128xi32, #tpu.memory_space<vmem>> -> memref<128xi32, #tpu.memory_space<vmem>>
        %dma_start3A_90 = arith.constant 0 : i32
        %dma_start3A_91 = arith.constant 0 : i32
        %dma_start3A_92 = tpu.memref_slice %arg10[%dma_start3A_90, %dma_start3A_91] : memref<10240x128xf32, #tpu.memory_space<vmem_shared>> -> memref<10240x128xf32, #tpu.memory_space<vmem_shared>>
        tpu.enqueue_indirect_dma source(%arg8 : memref<128x128xf32, #tpu.memory_space<vmem>>) target(%dma_start3A_92 : memref<10240x128xf32, #tpu.memory_space<vmem_shared>>) offsets(%dma_start3A_89 : memref<128xi32, #tpu.memory_space<vmem>>) semaphore(%run_scoped3A_86 : memref<!tpu.dma_semaphore, #tpu.memory_space<semaphore_mem>>) {add = true}
        %dma_wait3A_93 = arith.constant 0 : i32
        %dma_wait3A_94 = tpu.memref_slice %arg6[%run_scoped3A, %dma_wait3A_93] : memref<2x128xi32, #tpu.memory_space<vmem>> -> memref<1x128xi32, #tpu.memory_space<vmem>>
        %dma_wait3A_95 = tpu.memref_squeeze %dma_wait3A_94 : memref<1x128xi32, #tpu.memory_space<vmem>> -> memref<128xi32, #tpu.memory_space<vmem>>
        %dma_wait3A_96 = arith.constant 0 : i32
        %dma_wait3A_97 = arith.constant 0 : i32
        %dma_wait3A_98 = tpu.memref_slice %arg10[%dma_wait3A_96, %dma_wait3A_97] : memref<10240x128xf32, #tpu.memory_space<vmem_shared>> -> memref<10240x128xf32, #tpu.memory_space<vmem_shared>>
        tpu.wait_indirect_dma semaphore(%run_scoped3A_86 : memref<!tpu.dma_semaphore, #tpu.memory_space<semaphore_mem>>) src(%arg8 : memref<128x128xf32, #tpu.memory_space<vmem>>) dst(%dma_wait3A_98 : memref<10240x128xf32, #tpu.memory_space<vmem_shared>>)
        tpu.yield
      }) : () -> ()
      %convert_element_type3A_72 = arith.extui %lt3A_48 : i1 to i32
      %cond3A_73 = arith.constant 0 : i32
      %cond3A_74 = arith.cmpi ne, %convert_element_type3A_72, %cond3A_73 : i32
      scf.if %cond3A_74 {
        %add3A_86 = arith.constant 2 : i32
        %add3A_87 = arith.addi %add3A_44, %add3A_86 : i32
        "tpu.region"() ({
          %run_scoped3A_95 = tpu.sem_alloc : memref<!tpu.dma_semaphore, #tpu.memory_space<semaphore_mem>>
          %dma_start3A_96 = arith.constant 0 : i32
          %dma_start3A_97 = arith.constant 0 : i32
          %dma_start3A_98 = tpu.memref_slice %arg2[%add3A_87, %dma_start3A_96, %dma_start3A_97] : memref<2500x2x128xi32, #tpu.memory_space<hbm>> -> memref<1x2x128xi32, #tpu.memory_space<hbm>>
          %dma_start3A_99 = tpu.memref_squeeze %dma_start3A_98 : memref<1x2x128xi32, #tpu.memory_space<hbm>> -> memref<2x128xi32, #tpu.memory_space<hbm>>
          %dma_start3A_100 = arith.constant 0 : i32
          %dma_start3A_101 = arith.constant 0 : i32
          %dma_start3A_102 = tpu.memref_slice %arg2[%add3A_87, %dma_start3A_100, %dma_start3A_101] : memref<2500x2x128xi32, #tpu.memory_space<hbm>> -> memref<1x2x128xi32, #tpu.memory_space<hbm>>
          %dma_start3A_103 = tpu.memref_squeeze %dma_start3A_102 : memref<1x2x128xi32, #tpu.memory_space<hbm>> -> memref<2x128xi32, #tpu.memory_space<hbm>>
          tpu.enqueue_dma source(%dma_start3A_103 : memref<2x128xi32, #tpu.memory_space<hbm>>) target(%arg6 : memref<2x128xi32, #tpu.memory_space<vmem>>) target_semaphore(%run_scoped3A_95 : memref<!tpu.dma_semaphore, #tpu.memory_space<semaphore_mem>>)
          %dma_wait3A_104 = arith.constant 0 : i32
          %dma_wait3A_105 = arith.constant 0 : i32
          %dma_wait3A_106 = tpu.memref_slice %arg2[%add3A_87, %dma_wait3A_104, %dma_wait3A_105] : memref<2500x2x128xi32, #tpu.memory_space<hbm>> -> memref<1x2x128xi32, #tpu.memory_space<hbm>>
          %dma_wait3A_107 = tpu.memref_squeeze %dma_wait3A_106 : memref<1x2x128xi32, #tpu.memory_space<hbm>> -> memref<2x128xi32, #tpu.memory_space<hbm>>
          %dma_wait3A_108 = arith.constant 0 : i32
          %dma_wait3A_109 = arith.constant 0 : i32
          %dma_wait3A_110 = tpu.memref_slice %arg2[%add3A_87, %dma_wait3A_108, %dma_wait3A_109] : memref<2500x2x128xi32, #tpu.memory_space<hbm>> -> memref<1x2x128xi32, #tpu.memory_space<hbm>>
          %dma_wait3A_111 = tpu.memref_squeeze %dma_wait3A_110 : memref<1x2x128xi32, #tpu.memory_space<hbm>> -> memref<2x128xi32, #tpu.memory_space<hbm>>
          tpu.wait_dma2 semaphore(%run_scoped3A_95 : memref<!tpu.dma_semaphore, #tpu.memory_space<semaphore_mem>>) src(%dma_wait3A_111 : memref<2x128xi32, #tpu.memory_space<hbm>>) dst(%arg6 : memref<2x128xi32, #tpu.memory_space<vmem>>)
          tpu.yield
        }) : () -> ()
        %dma_start3A_88 = arith.constant 0 : i32
        %dma_start3A_89 = arith.constant 0 : i32
        %dma_start3A_90 = tpu.memref_slice %arg6[%dma_start3A_88, %dma_start3A_89] : memref<2x128xi32, #tpu.memory_space<vmem>> -> memref<1x128xi32, #tpu.memory_space<vmem>>
        %dma_start3A_91 = tpu.memref_squeeze %dma_start3A_90 : memref<1x128xi32, #tpu.memory_space<vmem>> -> memref<128xi32, #tpu.memory_space<vmem>>
        %dma_start3A_92 = arith.constant 0 : i32
        %dma_start3A_93 = arith.constant 0 : i32
        %dma_start3A_94 = tpu.memref_slice %arg3[%dma_start3A_92, %dma_start3A_93] : memref<10000x128xf32, #tpu.memory_space<hbm>> -> memref<10000x128xf32, #tpu.memory_space<hbm>>
        tpu.enqueue_indirect_dma source(%dma_start3A_94 : memref<10000x128xf32, #tpu.memory_space<hbm>>) target(%arg8 : memref<128x128xf32, #tpu.memory_space<vmem>>) offsets(%dma_start3A_91 : memref<128xi32, #tpu.memory_space<vmem>>) semaphore(%arg11 : memref<!tpu.dma_semaphore, #tpu.memory_space<semaphore_mem>>)
      } else {
      }
      %dma_wait3A_75 = arith.constant 0 : i32
      %dma_wait3A_76 = arith.constant 0 : i32
      %dma_wait3A_77 = tpu.memref_slice %arg7[%dma_wait3A_75, %dma_wait3A_76] : memref<2x128xi32, #tpu.memory_space<vmem>> -> memref<1x128xi32, #tpu.memory_space<vmem>>
      %dma_wait3A_78 = tpu.memref_squeeze %dma_wait3A_77 : memref<1x128xi32, #tpu.memory_space<vmem>> -> memref<128xi32, #tpu.memory_space<vmem>>
      %dma_wait3A_79 = arith.constant 0 : i32
      %dma_wait3A_80 = arith.constant 0 : i32
      %dma_wait3A_81 = tpu.memref_slice %arg3[%dma_wait3A_79, %dma_wait3A_80] : memref<10000x128xf32, #tpu.memory_space<hbm>> -> memref<10000x128xf32, #tpu.memory_space<hbm>>
      tpu.wait_indirect_dma semaphore(%arg12 : memref<!tpu.dma_semaphore, #tpu.memory_space<semaphore_mem>>) src(%dma_wait3A_81 : memref<10000x128xf32, #tpu.memory_space<hbm>>) dst(%arg9 : memref<128x128xf32, #tpu.memory_space<vmem>>)
      %run_scoped3A_82 = arith.constant 1 : i32
      "tpu.region"() ({
        %run_scoped3A_86 = tpu.sem_alloc : memref<!tpu.dma_semaphore, #tpu.memory_space<semaphore_mem>>
        %dma_start3A_87 = arith.constant 0 : i32
        %dma_start3A_88 = tpu.memref_slice %arg7[%run_scoped3A_82, %dma_start3A_87] : memref<2x128xi32, #tpu.memory_space<vmem>> -> memref<1x128xi32, #tpu.memory_space<vmem>>
        %dma_start3A_89 = tpu.memref_squeeze %dma_start3A_88 : memref<1x128xi32, #tpu.memory_space<vmem>> -> memref<128xi32, #tpu.memory_space<vmem>>
        %dma_start3A_90 = arith.constant 0 : i32
        %dma_start3A_91 = arith.constant 0 : i32
        %dma_start3A_92 = tpu.memref_slice %arg10[%dma_start3A_90, %dma_start3A_91] : memref<10240x128xf32, #tpu.memory_space<vmem_shared>> -> memref<10240x128xf32, #tpu.memory_space<vmem_shared>>
        tpu.enqueue_indirect_dma source(%arg9 : memref<128x128xf32, #tpu.memory_space<vmem>>) target(%dma_start3A_92 : memref<10240x128xf32, #tpu.memory_space<vmem_shared>>) offsets(%dma_start3A_89 : memref<128xi32, #tpu.memory_space<vmem>>) semaphore(%run_scoped3A_86 : memref<!tpu.dma_semaphore, #tpu.memory_space<semaphore_mem>>) {add = true}
        %dma_wait3A_93 = arith.constant 0 : i32
        %dma_wait3A_94 = tpu.memref_slice %arg7[%run_scoped3A_82, %dma_wait3A_93] : memref<2x128xi32, #tpu.memory_space<vmem>> -> memref<1x128xi32, #tpu.memory_space<vmem>>
        %dma_wait3A_95 = tpu.memref_squeeze %dma_wait3A_94 : memref<1x128xi32, #tpu.memory_space<vmem>> -> memref<128xi32, #tpu.memory_space<vmem>>
        %dma_wait3A_96 = arith.constant 0 : i32
        %dma_wait3A_97 = arith.constant 0 : i32
        %dma_wait3A_98 = tpu.memref_slice %arg10[%dma_wait3A_96, %dma_wait3A_97] : memref<10240x128xf32, #tpu.memory_space<vmem_shared>> -> memref<10240x128xf32, #tpu.memory_space<vmem_shared>>
        tpu.wait_indirect_dma semaphore(%run_scoped3A_86 : memref<!tpu.dma_semaphore, #tpu.memory_space<semaphore_mem>>) src(%arg9 : memref<128x128xf32, #tpu.memory_space<vmem>>) dst(%dma_wait3A_98 : memref<10240x128xf32, #tpu.memory_space<vmem_shared>>)
        tpu.yield
      }) : () -> ()
      %convert_element_type3A_83 = arith.extui %lt3A_48 : i1 to i32
      %cond3A_84 = arith.constant 0 : i32
      %cond3A_85 = arith.cmpi ne, %convert_element_type3A_83, %cond3A_84 : i32
      scf.if %cond3A_85 {
        %add3A_86 = arith.constant 3 : i32
        %add3A_87 = arith.addi %add3A_44, %add3A_86 : i32
        %dma_start3A_88 = arith.constant 0 : i32
        %dma_start3A_89 = arith.constant 0 : i32
        %dma_start3A_90 = tpu.memref_slice %arg2[%add3A_87, %dma_start3A_88, %dma_start3A_89] : memref<2500x2x128xi32, #tpu.memory_space<hbm>> -> memref<1x2x128xi32, #tpu.memory_space<hbm>>
        %dma_start3A_91 = tpu.memref_squeeze %dma_start3A_90 : memref<1x2x128xi32, #tpu.memory_space<hbm>> -> memref<2x128xi32, #tpu.memory_space<hbm>>
        %dma_start3A_92 = arith.constant 0 : i32
        %dma_start3A_93 = arith.constant 0 : i32
        %dma_start3A_94 = tpu.memref_slice %arg2[%add3A_87, %dma_start3A_92, %dma_start3A_93] : memref<2500x2x128xi32, #tpu.memory_space<hbm>> -> memref<1x2x128xi32, #tpu.memory_space<hbm>>
        %dma_start3A_95 = tpu.memref_squeeze %dma_start3A_94 : memref<1x2x128xi32, #tpu.memory_space<hbm>> -> memref<2x128xi32, #tpu.memory_space<hbm>>
        tpu.enqueue_dma source(%dma_start3A_95 : memref<2x128xi32, #tpu.memory_space<hbm>>) target(%arg7 : memref<2x128xi32, #tpu.memory_space<vmem>>) target_semaphore(%arg13 : memref<!tpu.dma_semaphore, #tpu.memory_space<semaphore_mem>>)
      } else {
      }
    }
    %scan3A_37 = arith.constant 39 : i32
    %lt3A = arith.constant 4 : i32
    %lt3A_38 = arith.cmpi slt, %add3A, %lt3A : i32
    %convert_element_type3A = arith.extui %lt3A_38 : i1 to i32
    %cond3A = arith.constant 0 : i32
    %cond3A_39 = arith.cmpi ne, %convert_element_type3A, %cond3A : i32
    scf.if %cond3A_39 {
      %add3A_41 = arith.constant 78 : i32
      %add3A_42 = arith.addi %add3A_4, %add3A_41 : i32
      "tpu.region"() ({
        %run_scoped3A_56 = tpu.sem_alloc : memref<!tpu.dma_semaphore, #tpu.memory_space<semaphore_mem>>
        %dma_start3A_57 = arith.constant 0 : i32
        %dma_start3A_58 = arith.constant 0 : i32
        %dma_start3A_59 = tpu.memref_slice %arg2[%add3A_42, %dma_start3A_57, %dma_start3A_58] : memref<2500x2x128xi32, #tpu.memory_space<hbm>> -> memref<1x2x128xi32, #tpu.memory_space<hbm>>
        %dma_start3A_60 = tpu.memref_squeeze %dma_start3A_59 : memref<1x2x128xi32, #tpu.memory_space<hbm>> -> memref<2x128xi32, #tpu.memory_space<hbm>>
        %dma_start3A_61 = arith.constant 0 : i32
        %dma_start3A_62 = arith.constant 0 : i32
        %dma_start3A_63 = tpu.memref_slice %arg2[%add3A_42, %dma_start3A_61, %dma_start3A_62] : memref<2500x2x128xi32, #tpu.memory_space<hbm>> -> memref<1x2x128xi32, #tpu.memory_space<hbm>>
        %dma_start3A_64 = tpu.memref_squeeze %dma_start3A_63 : memref<1x2x128xi32, #tpu.memory_space<hbm>> -> memref<2x128xi32, #tpu.memory_space<hbm>>
        tpu.enqueue_dma source(%dma_start3A_64 : memref<2x128xi32, #tpu.memory_space<hbm>>) target(%arg6 : memref<2x128xi32, #tpu.memory_space<vmem>>) target_semaphore(%run_scoped3A_56 : memref<!tpu.dma_semaphore, #tpu.memory_space<semaphore_mem>>)
        %dma_wait3A_65 = arith.constant 0 : i32
        %dma_wait3A_66 = arith.constant 0 : i32
        %dma_wait3A_67 = tpu.memref_slice %arg2[%add3A_42, %dma_wait3A_65, %dma_wait3A_66] : memref<2500x2x128xi32, #tpu.memory_space<hbm>> -> memref<1x2x128xi32, #tpu.memory_space<hbm>>
        %dma_wait3A_68 = tpu.memref_squeeze %dma_wait3A_67 : memref<1x2x128xi32, #tpu.memory_space<hbm>> -> memref<2x128xi32, #tpu.memory_space<hbm>>
        %dma_wait3A_69 = arith.constant 0 : i32
        %dma_wait3A_70 = arith.constant 0 : i32
        %dma_wait3A_71 = tpu.memref_slice %arg2[%add3A_42, %dma_wait3A_69, %dma_wait3A_70] : memref<2500x2x128xi32, #tpu.memory_space<hbm>> -> memref<1x2x128xi32, #tpu.memory_space<hbm>>
        %dma_wait3A_72 = tpu.memref_squeeze %dma_wait3A_71 : memref<1x2x128xi32, #tpu.memory_space<hbm>> -> memref<2x128xi32, #tpu.memory_space<hbm>>
        tpu.wait_dma2 semaphore(%run_scoped3A_56 : memref<!tpu.dma_semaphore, #tpu.memory_space<semaphore_mem>>) src(%dma_wait3A_72 : memref<2x128xi32, #tpu.memory_space<hbm>>) dst(%arg6 : memref<2x128xi32, #tpu.memory_space<vmem>>)
        tpu.yield
      }) : () -> ()
      %dma_start3A_43 = arith.constant 0 : i32
      %dma_start3A_44 = arith.constant 0 : i32
      %dma_start3A_45 = tpu.memref_slice %arg6[%dma_start3A_43, %dma_start3A_44] : memref<2x128xi32, #tpu.memory_space<vmem>> -> memref<1x128xi32, #tpu.memory_space<vmem>>
      %dma_start3A_46 = tpu.memref_squeeze %dma_start3A_45 : memref<1x128xi32, #tpu.memory_space<vmem>> -> memref<128xi32, #tpu.memory_space<vmem>>
      %dma_start3A_47 = arith.constant 0 : i32
      %dma_start3A_48 = arith.constant 0 : i32
      %dma_start3A_49 = tpu.memref_slice %arg3[%dma_start3A_47, %dma_start3A_48] : memref<10000x128xf32, #tpu.memory_space<hbm>> -> memref<10000x128xf32, #tpu.memory_space<hbm>>
      tpu.enqueue_indirect_dma source(%dma_start3A_49 : memref<10000x128xf32, #tpu.memory_space<hbm>>) target(%arg8 : memref<128x128xf32, #tpu.memory_space<vmem>>) offsets(%dma_start3A_46 : memref<128xi32, #tpu.memory_space<vmem>>) semaphore(%arg11 : memref<!tpu.dma_semaphore, #tpu.memory_space<semaphore_mem>>)
      %dma_wait3A = arith.constant 0 : i32
      %dma_wait3A_50 = arith.constant 0 : i32
      %dma_wait3A_51 = tpu.memref_slice %arg6[%dma_wait3A, %dma_wait3A_50] : memref<2x128xi32, #tpu.memory_space<vmem>> -> memref<1x128xi32, #tpu.memory_space<vmem>>
      %dma_wait3A_52 = tpu.memref_squeeze %dma_wait3A_51 : memref<1x128xi32, #tpu.memory_space<vmem>> -> memref<128xi32, #tpu.memory_space<vmem>>
      %dma_wait3A_53 = arith.constant 0 : i32
      %dma_wait3A_54 = arith.constant 0 : i32
      %dma_wait3A_55 = tpu.memref_slice %arg3[%dma_wait3A_53, %dma_wait3A_54] : memref<10000x128xf32, #tpu.memory_space<hbm>> -> memref<10000x128xf32, #tpu.memory_space<hbm>>
      tpu.wait_indirect_dma semaphore(%arg11 : memref<!tpu.dma_semaphore, #tpu.memory_space<semaphore_mem>>) src(%dma_wait3A_55 : memref<10000x128xf32, #tpu.memory_space<hbm>>) dst(%arg8 : memref<128x128xf32, #tpu.memory_space<vmem>>)
      %run_scoped3A = arith.constant 1 : i32
      "tpu.region"() ({
        %run_scoped3A_56 = tpu.sem_alloc : memref<!tpu.dma_semaphore, #tpu.memory_space<semaphore_mem>>
        %dma_start3A_57 = arith.constant 0 : i32
        %dma_start3A_58 = tpu.memref_slice %arg6[%run_scoped3A, %dma_start3A_57] : memref<2x128xi32, #tpu.memory_space<vmem>> -> memref<1x128xi32, #tpu.memory_space<vmem>>
        %dma_start3A_59 = tpu.memref_squeeze %dma_start3A_58 : memref<1x128xi32, #tpu.memory_space<vmem>> -> memref<128xi32, #tpu.memory_space<vmem>>
        %dma_start3A_60 = arith.constant 0 : i32
        %dma_start3A_61 = arith.constant 0 : i32
        %dma_start3A_62 = tpu.memref_slice %arg10[%dma_start3A_60, %dma_start3A_61] : memref<10240x128xf32, #tpu.memory_space<vmem_shared>> -> memref<10240x128xf32, #tpu.memory_space<vmem_shared>>
        tpu.enqueue_indirect_dma source(%arg8 : memref<128x128xf32, #tpu.memory_space<vmem>>) target(%dma_start3A_62 : memref<10240x128xf32, #tpu.memory_space<vmem_shared>>) offsets(%dma_start3A_59 : memref<128xi32, #tpu.memory_space<vmem>>) semaphore(%run_scoped3A_56 : memref<!tpu.dma_semaphore, #tpu.memory_space<semaphore_mem>>) {add = true}
        %dma_wait3A_63 = arith.constant 0 : i32
        %dma_wait3A_64 = tpu.memref_slice %arg6[%run_scoped3A, %dma_wait3A_63] : memref<2x128xi32, #tpu.memory_space<vmem>> -> memref<1x128xi32, #tpu.memory_space<vmem>>
        %dma_wait3A_65 = tpu.memref_squeeze %dma_wait3A_64 : memref<1x128xi32, #tpu.memory_space<vmem>> -> memref<128xi32, #tpu.memory_space<vmem>>
        %dma_wait3A_66 = arith.constant 0 : i32
        %dma_wait3A_67 = arith.constant 0 : i32
        %dma_wait3A_68 = tpu.memref_slice %arg10[%dma_wait3A_66, %dma_wait3A_67] : memref<10240x128xf32, #tpu.memory_space<vmem_shared>> -> memref<10240x128xf32, #tpu.memory_space<vmem_shared>>
        tpu.wait_indirect_dma semaphore(%run_scoped3A_56 : memref<!tpu.dma_semaphore, #tpu.memory_space<semaphore_mem>>) src(%arg8 : memref<128x128xf32, #tpu.memory_space<vmem>>) dst(%dma_wait3A_68 : memref<10240x128xf32, #tpu.memory_space<vmem_shared>>)
        tpu.yield
      }) : () -> ()
    } else {
    }
    %barrier3A_40 = arith.constant 0 : index
    tpu.barrier barrier_id(%barrier3A_40)
    "tpu.region"() ({
      %run_scoped3A = tpu.sem_alloc : memref<!tpu.dma_semaphore, #tpu.memory_space<semaphore_mem>>
      %dma_start3A_41 = arith.constant 0 : i32
      %dma_start3A_42 = tpu.memref_slice %arg5[%arg0, %mul3A_22, %dma_start3A_41] : memref<2x10240x128xf32, #tpu.memory_space<hbm>> -> memref<1x640x128xf32, #tpu.memory_space<hbm>>
      %dma_start3A_43 = tpu.memref_squeeze %dma_start3A_42 : memref<1x640x128xf32, #tpu.memory_space<hbm>> -> memref<640x128xf32, #tpu.memory_space<hbm>>
      %dma_start3A_44 = arith.constant 0 : i32
      %dma_start3A_45 = tpu.memref_slice %arg10[%mul3A_22, %dma_start3A_44] : memref<10240x128xf32, #tpu.memory_space<vmem_shared>> -> memref<640x128xf32, #tpu.memory_space<vmem_shared>>
      tpu.enqueue_dma source(%dma_start3A_45 : memref<640x128xf32, #tpu.memory_space<vmem_shared>>) target(%dma_start3A_43 : memref<640x128xf32, #tpu.memory_space<hbm>>) target_semaphore(%run_scoped3A : memref<!tpu.dma_semaphore, #tpu.memory_space<semaphore_mem>>)
      %dma_wait3A = arith.constant 0 : i32
      %dma_wait3A_46 = tpu.memref_slice %arg5[%arg0, %mul3A_22, %dma_wait3A] : memref<2x10240x128xf32, #tpu.memory_space<hbm>> -> memref<1x640x128xf32, #tpu.memory_space<hbm>>
      %dma_wait3A_47 = tpu.memref_squeeze %dma_wait3A_46 : memref<1x640x128xf32, #tpu.memory_space<hbm>> -> memref<640x128xf32, #tpu.memory_space<hbm>>
      %dma_wait3A_48 = arith.constant 0 : i32
      %dma_wait3A_49 = tpu.memref_slice %arg10[%mul3A_22, %dma_wait3A_48] : memref<10240x128xf32, #tpu.memory_space<vmem_shared>> -> memref<640x128xf32, #tpu.memory_space<vmem_shared>>
      tpu.wait_dma2 semaphore(%run_scoped3A : memref<!tpu.dma_semaphore, #tpu.memory_space<semaphore_mem>>) src(%dma_wait3A_49 : memref<640x128xf32, #tpu.memory_space<vmem_shared>>) dst(%dma_wait3A_47 : memref<640x128xf32, #tpu.memory_space<hbm>>)
      tpu.yield
    }) : () -> ()
    return
  }
}

module attributes {stable_mosaic.version = 14 : i64} {
  func.func @_tc_xw_body(%arg0: memref<10000x128xf32, #tpu.memory_space<vmem>>, %arg1: memref<128x128xf32, #tpu.memory_space<vmem>>, %arg2: memref<10000x128xf32, #tpu.memory_space<vmem>>) attributes {dimension_semantics = [], scalar_prefetch = 0 : i64, scratch_operands = 0 : i64, tpu.core_type = #tpu.core_type<tc>} {
    %get3A = arith.constant 0 : index
    %get3A_0 = arith.constant 0 : index
    %get3A_1 = vector.load %arg1[%get3A, %get3A_0] : memref<128x128xf32, #tpu.memory_space<vmem>>, vector<128x128xf32>
    %abs3A = math.absf %get3A_1 : vector<128x128xf32>
    %reduce_sum3A = arith.constant dense<0.000000e+00> : vector<128xf32>
    %reduce_sum3A_2 = vector.multi_reduction <add>, %abs3A, %reduce_sum3A [1] : vector<128x128xf32> to vector<128xf32>
    %broadcast_in_dim3A = vector.shape_cast %reduce_sum3A_2 : vector<128xf32> to vector<128x1xf32>
    %reduce_max3A = arith.constant dense<0xFF800000> : vector<128xf32>
    %reduce_max3A_3 = vector.multi_reduction <maximumf>, %abs3A, %reduce_max3A [1] : vector<128x128xf32> to vector<128xf32>
    %broadcast_in_dim3A_4 = vector.shape_cast %reduce_max3A_3 : vector<128xf32> to vector<128x1xf32>
    %broadcast_in_dim3A_5 = arith.constant 0.000000e+00 : f32
    %broadcast_in_dim3A_6 = vector.broadcast %broadcast_in_dim3A_5 : f32 to vector<128x1xf32>
    %scan3A = arith.constant 0 : i32
    %scan3A_7 = arith.constant 40 : i32
    %scan3A_8 = arith.addi %scan3A, %scan3A_7 : i32
    %scan3A_9 = arith.constant 1 : i32
    %scan3A_10:2 = scf.for %scan3A_39 = %scan3A to %scan3A_8 step %scan3A_9 iter_args(%scan3A_40 = %broadcast_in_dim3A_6, %scan3A_41 = %broadcast_in_dim3A_4) -> (vector<128x1xf32>, vector<128x1xf32>)  : i32 {
      %add3A_42 = arith.addf %scan3A_40, %scan3A_41 : vector<128x1xf32>
      %mul3A_43 = arith.constant 5.000000e-01 : f32
      %mul3A_44 = vector.broadcast %mul3A_43 : f32 to vector<128x1xf32>
      %mul3A_45 = arith.mulf %mul3A_44, %add3A_42 : vector<128x1xf32>
      %sub3A_46 = vector.broadcast %mul3A_45 : vector<128x1xf32> to vector<128x128xf32>
      %sub3A_47 = arith.subf %abs3A, %sub3A_46 : vector<128x128xf32>
      %max3A_48 = arith.constant 0.000000e+00 : f32
      %max3A_49 = vector.broadcast %max3A_48 : f32 to vector<128x128xf32>
      %max3A_50 = arith.maximumf %sub3A_47, %max3A_49 : vector<128x128xf32>
      %reduce_sum3A_51 = arith.constant dense<0.000000e+00> : vector<128xf32>
      %reduce_sum3A_52 = vector.multi_reduction <add>, %max3A_50, %reduce_sum3A_51 [1] : vector<128x128xf32> to vector<128xf32>
      %broadcast_in_dim3A_53 = vector.shape_cast %reduce_sum3A_52 : vector<128xf32> to vector<128x1xf32>
      %gt3A_54 = arith.constant 0.949999988 : f32
      %gt3A_55 = vector.broadcast %gt3A_54 : f32 to vector<128x1xf32>
      %gt3A_56 = arith.cmpf ogt, %broadcast_in_dim3A_53, %gt3A_55 : vector<128x1xf32>
      %select_n3A_57 = arith.select %gt3A_56, %mul3A_45, %scan3A_40 : vector<128x1xi1>, vector<128x1xf32>
      %select_n3A_58 = arith.select %gt3A_56, %scan3A_41, %mul3A_45 : vector<128x1xi1>, vector<128x1xf32>
      scf.yield %select_n3A_57, %select_n3A_58 : vector<128x1xf32>, vector<128x1xf32>
    }
    %add3A = arith.addf %scan3A_10#0, %scan3A_10#1 : vector<128x1xf32>
    %mul3A = arith.constant 5.000000e-01 : f32
    %mul3A_11 = vector.broadcast %mul3A : f32 to vector<128x1xf32>
    %mul3A_12 = arith.mulf %mul3A_11, %add3A : vector<128x1xf32>
    %sign3A = tpu.bitcast %get3A_1 : vector<128x128xf32> -> vector<128x128xi32>
    %sign3A_13 = arith.constant -2147483648 : i32
    %sign3A_14 = vector.broadcast %sign3A_13 : i32 to vector<128x128xi32>
    %sign3A_15 = arith.andi %sign3A, %sign3A_14 : vector<128x128xi32>
    %sign3A_16 = arith.constant 1065353216 : i32
    %sign3A_17 = vector.broadcast %sign3A_16 : i32 to vector<128x128xi32>
    %sign3A_18 = arith.ori %sign3A_17, %sign3A_15 : vector<128x128xi32>
    %sign3A_19 = tpu.bitcast %sign3A_18 : vector<128x128xi32> -> vector<128x128xf32>
    %sign3A_20 = math.absf %get3A_1 : vector<128x128xf32>
    %sign3A_21 = arith.constant 0.000000e+00 : f32
    %sign3A_22 = vector.broadcast %sign3A_21 : f32 to vector<128x128xf32>
    %sign3A_23 = arith.cmpf ogt, %sign3A_20, %sign3A_22 : vector<128x128xf32>
    %sign3A_24 = arith.select %sign3A_23, %sign3A_19, %get3A_1 : vector<128x128xi1>, vector<128x128xf32>
    %sub3A = vector.broadcast %mul3A_12 : vector<128x1xf32> to vector<128x128xf32>
    %sub3A_25 = arith.subf %abs3A, %sub3A : vector<128x128xf32>
    %max3A = arith.constant 0.000000e+00 : f32
    %max3A_26 = vector.broadcast %max3A : f32 to vector<128x128xf32>
    %max3A_27 = arith.maximumf %sub3A_25, %max3A_26 : vector<128x128xf32>
    %mul3A_28 = arith.mulf %sign3A_24, %max3A_27 : vector<128x128xf32>
    %gt3A = arith.constant 0.949999988 : f32
    %gt3A_29 = vector.broadcast %gt3A : f32 to vector<128x1xf32>
    %gt3A_30 = arith.cmpf ogt, %broadcast_in_dim3A, %gt3A_29 : vector<128x1xf32>
    %broadcast_in_dim3A_31 = vector.shape_cast %gt3A_30 : vector<128x1xi1> to vector<128x1xi1>
    %broadcast_in_dim3A_32 = vector.broadcast %broadcast_in_dim3A_31 : vector<128x1xi1> to vector<128x128xi1>
    %select_n3A = arith.select %broadcast_in_dim3A_32, %mul3A_28, %get3A_1 : vector<128x128xi1>, vector<128x128xf32>
    %get3A_33 = arith.constant 0 : index
    %get3A_34 = arith.constant 0 : index
    %get3A_35 = vector.load %arg0[%get3A_33, %get3A_34] : memref<10000x128xf32, #tpu.memory_space<vmem>>, vector<10000x128xf32>
    %dot_general3A = arith.constant dense<0.000000e+00> : vector<10000x128xf32>
    %dot_general3A_36 = tpu.matmul %get3A_35, %select_n3A, %dot_general3A {dimension_numbers = #tpu.dot_dimension_numbers<[1], [1], [0], [0], [0, 0, 1, 0], [], []>, transpose_lhs_hint = false} : vector<10000x128xf32>, vector<128x128xf32>, vector<10000x128xf32> -> vector<10000x128xf32>
    %swap3A = arith.constant 0 : index
    %swap3A_37 = arith.constant 0 : index
    %swap3A_38 = vector.load %arg2[%swap3A, %swap3A_37] : memref<10000x128xf32, #tpu.memory_space<vmem>>, vector<10000x128xf32>
    tpu.vector_store %arg2[%swap3A, %swap3A_37], %dot_general3A_36 {strides = array<i32>} : memref<10000x128xf32, #tpu.memory_space<vmem>>, vector<10000x128xf32>,
    return
  }
}

module attributes {stable_mosaic.version = 14 : i64} {
  func.func @_tc_scale_body(%arg0: memref<10000x128xf32, #tpu.memory_space<vmem>>, %arg1: memref<2x10240x16xf32, #tpu.memory_space<vmem>>, %arg2: memref<10000x128xf32, #tpu.memory_space<vmem>>) attributes {dimension_semantics = [], scalar_prefetch = 0 : i64, scratch_operands = 0 : i64, tpu.core_type = #tpu.core_type<tc>} {
    %get3A = arith.constant 0 : index
    %get3A_0 = arith.constant 0 : index
    %get3A_1 = vector.load %arg0[%get3A, %get3A_0] : memref<10000x128xf32, #tpu.memory_space<vmem>>, vector<10000x128xf32>
    %get3A_2 = arith.constant 0 : index
    %get3A_3 = arith.constant 0 : index
    %get3A_4 = arith.constant 0 : index
    %get3A_5 = vector.load %arg1[%get3A_2, %get3A_3, %get3A_4] : memref<2x10240x16xf32, #tpu.memory_space<vmem>>, vector<1x10000x1xf32>
    %get3A_6 = vector.shape_cast %get3A_5 : vector<1x10000x1xf32> to vector<10000x1xf32>
    %get3A_7 = arith.constant 1 : index
    %get3A_8 = arith.constant 0 : index
    %get3A_9 = arith.constant 0 : index
    %get3A_10 = vector.load %arg1[%get3A_7, %get3A_8, %get3A_9] : memref<2x10240x16xf32, #tpu.memory_space<vmem>>, vector<1x10000x1xf32>
    %get3A_11 = vector.shape_cast %get3A_10 : vector<1x10000x1xf32> to vector<10000x1xf32>
    %add3A = arith.addf %get3A_6, %get3A_11 : vector<10000x1xf32>
    %add3A_12 = arith.constant 1.000000e+00 : f32
    %add3A_13 = vector.broadcast %add3A_12 : f32 to vector<10000x1xf32>
    %add3A_14 = arith.addf %add3A, %add3A_13 : vector<10000x1xf32>
    %rsqrt3A = math.rsqrt %add3A_14 : vector<10000x1xf32>
    %mul3A = vector.broadcast %rsqrt3A : vector<10000x1xf32> to vector<10000x128xf32>
    %mul3A_15 = arith.mulf %get3A_1, %mul3A : vector<10000x128xf32>
    %swap3A = arith.constant 0 : index
    %swap3A_16 = arith.constant 0 : index
    %swap3A_17 = vector.load %arg2[%swap3A, %swap3A_16] : memref<10000x128xf32, #tpu.memory_space<vmem>>, vector<10000x128xf32>
    tpu.vector_store %arg2[%swap3A, %swap3A_16], %mul3A_15 {strides = array<i32>} : memref<10000x128xf32, #tpu.memory_space<vmem>>, vector<10000x128xf32>,
    return
  }
}

module attributes {stable_mosaic.version = 14 : i64} {
  func.func @_tc_finish_body(%arg0: memref<2x10240x128xf32, #tpu.memory_space<vmem>>, %arg1: memref<10000x128xf32, #tpu.memory_space<vmem>>, %arg2: memref<10000x128xf32, #tpu.memory_space<vmem>>, %arg3: memref<128x128xf32, #tpu.memory_space<vmem>>, %arg4: memref<2x10240x16xf32, #tpu.memory_space<vmem>>, %arg5: memref<10000x128xf32, #tpu.memory_space<vmem>>) attributes {dimension_semantics = [], scalar_prefetch = 0 : i64, scratch_operands = 0 : i64, tpu.core_type = #tpu.core_type<tc>} {
    %get3A = arith.constant 0 : index
    %get3A_0 = arith.constant 0 : index
    %get3A_1 = arith.constant 0 : index
    %get3A_2 = vector.load %arg4[%get3A, %get3A_0, %get3A_1] : memref<2x10240x16xf32, #tpu.memory_space<vmem>>, vector<1x10000x1xf32>
    %get3A_3 = vector.shape_cast %get3A_2 : vector<1x10000x1xf32> to vector<10000x1xf32>
    %get3A_4 = arith.constant 1 : index
    %get3A_5 = arith.constant 0 : index
    %get3A_6 = arith.constant 0 : index
    %get3A_7 = vector.load %arg4[%get3A_4, %get3A_5, %get3A_6] : memref<2x10240x16xf32, #tpu.memory_space<vmem>>, vector<1x10000x1xf32>
    %get3A_8 = vector.shape_cast %get3A_7 : vector<1x10000x1xf32> to vector<10000x1xf32>
    %add3A = arith.addf %get3A_3, %get3A_8 : vector<10000x1xf32>
    %add3A_9 = arith.constant 1.000000e+00 : f32
    %add3A_10 = vector.broadcast %add3A_9 : f32 to vector<10000x1xf32>
    %add3A_11 = arith.addf %add3A, %add3A_10 : vector<10000x1xf32>
    %rsqrt3A = math.rsqrt %add3A_11 : vector<10000x1xf32>
    %get3A_12 = arith.constant 0 : index
    %get3A_13 = arith.constant 0 : index
    %get3A_14 = arith.constant 0 : index
    %get3A_15 = vector.load %arg0[%get3A_12, %get3A_13, %get3A_14] : memref<2x10240x128xf32, #tpu.memory_space<vmem>>, vector<1x10000x128xf32>
    %get3A_16 = vector.shape_cast %get3A_15 : vector<1x10000x128xf32> to vector<10000x128xf32>
    %get3A_17 = arith.constant 1 : index
    %get3A_18 = arith.constant 0 : index
    %get3A_19 = arith.constant 0 : index
    %get3A_20 = vector.load %arg0[%get3A_17, %get3A_18, %get3A_19] : memref<2x10240x128xf32, #tpu.memory_space<vmem>>, vector<1x10000x128xf32>
    %get3A_21 = vector.shape_cast %get3A_20 : vector<1x10000x128xf32> to vector<10000x128xf32>
    %add3A_22 = arith.addf %get3A_16, %get3A_21 : vector<10000x128xf32>
    %get3A_23 = arith.constant 0 : index
    %get3A_24 = arith.constant 0 : index
    %get3A_25 = vector.load %arg1[%get3A_23, %get3A_24] : memref<10000x128xf32, #tpu.memory_space<vmem>>, vector<10000x128xf32>
    %add3A_26 = arith.addf %add3A_22, %get3A_25 : vector<10000x128xf32>
    %get3A_27 = arith.constant 0 : index
    %get3A_28 = arith.constant 0 : index
    %get3A_29 = vector.load %arg2[%get3A_27, %get3A_28] : memref<10000x128xf32, #tpu.memory_space<vmem>>, vector<10000x128xf32>
    %get3A_30 = arith.constant 0 : index
    %get3A_31 = arith.constant 0 : index
    %get3A_32 = vector.load %arg3[%get3A_30, %get3A_31] : memref<128x128xf32, #tpu.memory_space<vmem>>, vector<128x128xf32>
    %dot_general3A = arith.constant dense<0.000000e+00> : vector<10000x128xf32>
    %dot_general3A_33 = tpu.matmul %get3A_29, %get3A_32, %dot_general3A {dimension_numbers = #tpu.dot_dimension_numbers<[1], [1], [0], [0], [0, 0, 1, 0], [], []>, transpose_lhs_hint = false} : vector<10000x128xf32>, vector<128x128xf32>, vector<10000x128xf32> -> vector<10000x128xf32>
    %mul3A = vector.broadcast %rsqrt3A : vector<10000x1xf32> to vector<10000x128xf32>
    %mul3A_34 = arith.mulf %add3A_26, %mul3A : vector<10000x128xf32>
    %add3A_35 = arith.addf %mul3A_34, %dot_general3A_33 : vector<10000x128xf32>
    %max3A = arith.constant 0.000000e+00 : f32
    %max3A_36 = vector.broadcast %max3A : f32 to vector<10000x128xf32>
    %max3A_37 = arith.maximumf %add3A_35, %max3A_36 : vector<10000x128xf32>
    %swap3A = arith.constant 0 : index
    %swap3A_38 = arith.constant 0 : index
    %swap3A_39 = vector.load %arg5[%swap3A, %swap3A_38] : memref<10000x128xf32, #tpu.memory_space<vmem>>, vector<10000x128xf32>
    tpu.vector_store %arg5[%swap3A, %swap3A_38], %max3A_37 {strides = array<i32>} : memref<10000x128xf32, #tpu.memory_space<vmem>>, vector<10000x128xf32>,
    return
  }
}

</mosaic_0001>

<sc_bundles>
// kernel: kernel.10.cloned.1.call-start
scs
__scs_entry_jumppad:
0x0: {  	(pc) =	sbr.rel $0x88, $3  }
0x1: {  	(tag) =	ssettag $0x0;
	lr =	simm.s32 $0x1  }
0x2: {  	[smem:$0x3F9C] =	sst lr;
	_ =	strace $0xD0000000  }
0x3: {  	_ = 	snop  }
0x4: {  	_ = 	snop  }
0x5: {  	_ = 	snop  }
0x6: {  	_ = 	snop  }
0x7: {  	_ = 	snop  }
__scs_overlays_trampoline_lowered:
0x8: {  	[smem:$0x3FAB] =	sst s0  }
0x9: {  	[smem:$0x3FAC] =	sst s1  }
0xa: {  	[smem:$0x3FAD] =	sst s2  }
0xb: {  	[smem:$0x3FAE] =	sst s3  }
0xc: {  	[smem:$0x3FAF] =	sst s4  }
0xd: {  	[smem:$0x3FB0] =	sst s5  }
0xe: {  	[smem:$0x3FB1] =	sst s6  }
0xf: {  	[smem:$0x3FB2] =	sst s7  }
0x10: {  	[smem:$0x3FB3] =	sst s8  }
0x11: {  	[smem:$0x3FB4] =	sst s9;
	s0 =	simm.s32 @!p0 $0x0  }
0x12: {  	s1 =	sld [smem:$0x3F9A];
	s0 =	simm.s32 @p0 $0x1  }
0x13: {  	[smem:$0x3FB5] =	sst s0;
	s0 =	simm.s32 @!p1 $0x0  }
0x14: {  	s2 =	sld [smem:$0x3F99];
	s0 =	simm.s32 @p1 $0x1  }
0x15: {  	[smem:$0x3FB6] =	sst s0;
	s0 =	simm.s32 @!p2 $0x0  }
0x16: {  	s3 =	sld [smem:$0x3FDB];
	s0 =	simm.s32 @p2 $0x1  }
0x17: {  	s4 =	simm.s32 $0x1BF5;
	[smem:$0x3FB8] =	sst s0  }
0x18: {  	s0 =	sld [smem:$0x3F9B];
	_ =	swait.ge [sflag:s4], $0x0  }
0x19: {  	s7 =	sld [smem:$0x3F9C]  }
0x1a: {  	s8 =	sadd.s32 $0xFFFFE003, lr  }
0x1b: {  	s9 =	sadd.s32 $0xFFFFFEF7, lr;
	s5 =	simm.s32 $0xFFFFFFFF;
	p2 =	slt.u32 s8, $0xFFFFF086  }
0x1c: {  	p1 =	slt.u32 s9, $0xF7A;
	s5 =	simm.s32 @!p2 $0x0  }
0x1d: {  	s5 =	simm.s32 @p1 $0x1;
	p0 =	seq.s32 s7, s2  }
0x1e: {  	s7 =	smul.u32 @!p0 $0xF7A, s2;
	p2 =	seq.s32 @!p0 s5, $0x0  }
0x1f: {  	s9 =	smul.u32 $0xF7A, s1;
	s8 =	simm.s32 @!p0 $0x1BF5;
	p2 =	por !p2, p0  }
0x20: {  	[sflag:s8] =	ssyncset.s32 @!p0 $0xFFFFF086;
	s6 =	sadd.s32 @!p0 s3, s7;
	s7 =	simm.s32 @!p0 $0x108  }
0x21: {  	s3 =	sadd.s32 s3, s9;
	s6 =	sadd.s32 @!p0 $0x88, s6;
	s7 =	simm.s32 @p2 $0x1082  }
0x22: {  	[simem:s7], [sflag:s8] =	dma.local @!p0 [hbm:s6], $0xF7A  }
0x23: {  	s9 =	sor.u32 $0xD0000000, s2;
	s6 =	simm.s32 $0x108;
	_ =	swait.ge @!p0 [sflag:s8], $0x0  }
0x24: {  	s3 =	sadd.s32 $0x88, s3;
	s6 =	simm.s32 @!p1 $0x1082;
	[sflag:s4] =	ssyncset.s32 $0xFFFFF086  }
0x25: {  	[simem:s6], [sflag:s4] =	dma.local [hbm:s3], $0xF7A  }
0x26: {  	[smem:$0x3F9C] =	sst s1;
	(tag) =	ssettag s2;
	_ =	strace s9  }
0x27: {  	s1 =	sld [smem:$0x3FAC]  }
0x28: {  	s2 =	sld [smem:$0x3FAD]  }
0x29: {  	s4 =	sld [smem:$0x3FAF]  }
0x2a: {  	p0 =	seq.s32 s5, $0x0;
	s5 =	sld [smem:$0x3FB0]  }
0x2b: {  	s6 =	sld [smem:$0x3FB1]  }
0x2c: {  	s7 =	sld [smem:$0x3FB2]  }
0x2d: {  	s3 =	simm.s32 $0x108;
	s8 =	sld [smem:$0x3FB3]  }
0x2e: {  	s3 =	simm.s32 @!p0 $0x1082;
	s9 =	sld [smem:$0x3FB4]  }
0x2f: {  	lr =	sadd.s32 s0, s3;
	s0 =	sld [smem:$0x3FAB]  }
0x30: {  	s3 =	sld [smem:$0x3FAE]  }
0x31: {  	[smem:$0x3FB7] =	sst s10  }
0x32: {  	s10 =	sld [smem:$0x3FB5];
	_ =	sdelay $0x3  }
0x33: {  	p0 =	seq.s32 s10, $0x1;
	s10 =	sld [smem:$0x3FB7];
	_ =	sdelay $0x3  }
0x34: {  	[smem:$0x3FB7] =	sst s10  }
0x35: {  	s10 =	sld [smem:$0x3FB6];
	_ =	sdelay $0x3  }
0x36: {  	p1 =	seq.s32 s10, $0x1;
	s10 =	sld [smem:$0x3FB7];
	_ =	sdelay $0x3  }
0x37: {  	[smem:$0x3FB7] =	sst s10  }
0x38: {  	s10 =	sld [smem:$0x3FB8]  }
0x39: {  	_ = 	snop;
	(pc) =	sbr.ind lr, $3  }
0x3a: {  	_ = 	snop  }
0x3b: {  	_ = 	snop  }
0x3c: {  	p2 =	seq.s32 s10, $0x1;
	s10 =	sld [smem:$0x3FB7]  }
0x3d: {  	_ =	shalt  }
0x3e: {  	_ =	shalt  }
0x3f: {  	_ =	shalt  }
0x40: {  	_ =	shalt  }
0x41: {  	_ =	shalt  }
0x42: {  	_ =	shalt  }
0x43: {  	_ =	shalt  }
0x44: {  	_ =	shalt  }
0x45: {  	_ =	shalt  }
0x46: {  	_ =	shalt  }
0x47: {  	_ =	shalt  }
0x48: {  	_ =	shalt  }
0x49: {  	_ =	shalt  }
0x4a: {  	_ =	shalt  }
0x4b: {  	_ =	shalt  }
0x4c: {  	_ =	shalt  }
0x4d: {  	_ =	shalt  }
0x4e: {  	_ =	shalt  }
0x4f: {  	_ =	shalt  }
0x50: {  	_ =	shalt  }
0x51: {  	_ =	shalt  }
0x52: {  	_ =	shalt  }
0x53: {  	_ =	shalt  }
0x54: {  	_ =	shalt  }
0x55: {  	_ =	shalt  }
0x56: {  	_ =	shalt  }
0x57: {  	_ =	shalt  }
0x58: {  	_ =	shalt  }
0x59: {  	_ =	shalt  }
0x5a: {  	_ =	shalt  }
0x5b: {  	_ =	shalt  }
0x5c: {  	_ =	shalt  }
0x5d: {  	_ =	shalt  }
0x5e: {  	_ =	shalt  }
0x5f: {  	_ =	shalt  }
0x60: {  	_ =	shalt  }
0x61: {  	_ =	shalt  }
0x62: {  	_ =	shalt  }
0x63: {  	_ =	shalt  }
0x64: {  	_ =	shalt  }
0x65: {  	_ =	shalt  }
0x66: {  	_ =	shalt  }
0x67: {  	_ =	shalt  }
0x68: {  	_ =	shalt  }
0x69: {  	_ =	shalt  }
0x6a: {  	_ =	shalt  }
0x6b: {  	_ =	shalt  }
0x6c: {  	_ =	shalt  }
0x6d: {  	_ =	shalt  }
0x6e: {  	_ =	shalt  }
0x6f: {  	_ =	shalt  }
0x70: {  	_ =	shalt  }
0x71: {  	_ =	shalt  }
0x72: {  	_ =	shalt  }
0x73: {  	_ =	shalt  }
0x74: {  	_ =	shalt  }
0x75: {  	_ =	shalt  }
0x76: {  	_ =	shalt  }
0x77: {  	_ =	shalt  }
0x78: {  	_ =	shalt  }
0x79: {  	_ =	shalt  }
0x7a: {  	_ =	shalt  }
0x7b: {  	_ =	shalt  }
0x7c: {  	_ =	shalt  }
0x7d: {  	_ =	shalt  }
0x7e: {  	_ =	shalt  }
0x7f: {  	_ =	shalt  }
0x80: {  	_ =	shalt  }
0x81: {  	_ =	shalt  }
0x82: {  	_ =	shalt  }
0x83: {  	_ =	shalt  }
0x84: {  	_ =	shalt  }
0x85: {  	_ =	shalt  }
0x86: {  	_ =	shalt  }
0x87: {  	_ =	shalt  }
.Lfunc_end0:
.L_simem_size_0:
called_computation.1_lowered:
.L_overlay_start_0:
0x88: {  	s2 =	sld [smem:$0x3FD9]  }
0x89: {  	s3 =	sld [smem:$0x3FFE];
	_ =	sdelay $0x1  }
0x8a: {  	s1 =	srdreg.scid  }
0x8b: {  	s0 =	sand.u32 $0x1, s1  }
0x8c: {  	s17 =	sshll.u32 s0, $0xA;
	s2 =	sadd.s32 s3, s2  }
0x8d: {  	s2 =	sadd.s32 s2, s17  }
0x8e: {  	[smem:$0x3FC3] =	sst s2  }
0x8f: {  	_ = 	snop  }
0x90: {  	s2 =	sld [smem:$0x3FC8]  }
0x91: {  	s18 =	sld [smem:$0x3FD0];
	(tm) =	ssettm $0x1  }
0x92: {  	s4 =	sld [smem:$0x3FFB];
	_ =	sdelay $0x3  }
0x93: {  	_ =	strace s4  }
0x94: {  	s4 =	sld [smem:$0x3FFC];
	_ =	sdelay $0x3  }
0x95: {  	_ =	strace s4  }
0x96: {  	s4 =	sld [smem:$0x3FFD];
	_ =	sdelay $0x3  }
0x97: {  	_ =	strace s4  }
0x98: {  	_ =	strace $0x8FFFFFFF  }
0x99: {  	s19 =	sld [smem:$0x3FDB];
	_ =	sdelay $0x1  }
0x9a: {  	s5 =	simm.s32 $_scs_section_size  }
0x9b: {  	s6 =	simm.s32 $_size__tile_overlayer_lowered;
	s7 =	simm.s32 $_tile_overlayer_lowered  }
0x9c: {  	s22 =	simm.s32 $0x1BFF;
	s21 =	sshll.u32 s7, $0x1;
	s4 =	sadd.s32 s5, s19  }
0x9d: {  	s8 =	simm.s32 $0x0;
	s20 =	sshll.u32 s6, $0x1;
	s6 =	sadd.s32 s21, s4  }
0x9e: {  	[timem:s8], [sflag:s22] =	dma.local [hbm:s6], s20  }
0x9f: {  	_ =	swait.ge [sflag:s22], s20  }
0xa0: {  	s5 =	ssub.s32 $0x0, s20;
	[sflag:s22] =	ssyncset.done $0x0  }
0xa1: {  	[sflag:s22] =	ssyncadd.s32 s5;
	_ =	sdelay $0x1  }
0xa2: {  	s23 =	simm.s32 $0x1B8B  }
0xa3: {  	_ =	swait.ge [sflag:s23], $0x1  }
0xa4: {  	[sflag:s23] =	ssyncset.done $0x0  }
0xa5: {  	s25 =	simm.s32 $0x1B8E;
	s24 =	sld [smem:$0x3FFE];
	[sflag:s23] =	ssyncadd.s32 $0xFFFFFFFF  }
0xa6: {  	s26 =	simm.s32 $execute0_lowered;
	[smem:$0x3FD2] =	sst s25  }
0xa7: {  	s6 =	sshll.u32 s26, $0x1;
	_ =	strace $0x80000049;
	[dreg:$0x1] =	wrdreg $0xFFFFFFFF  }
0xa8: {  	s28 =	simm.s32 $_size_execute0_lowered;
	s4 =	sadd.s32 s4, s6;
	[dreg:$0x0] =	wrdreg $0x0  }
0xa9: {  	s6 =	sshll.u32 s28, $0x1;
	[dreg:$0x2] =	wrdreg s4  }
0xaa: {  	[dreg:$0x3] =	wrdreg s6  }
0xab: {  	[dreg:$0x4] =	wrdreg $0xC0  }
0xac: {  	_ =	task [dreg:s8], $0x5FFFF  }
0xad: {  	[dreg:$0x1] =	wrdreg $0xFFFFFFFF  }
0xae: {  	[dreg:$0x0] =	wrdreg $0x60  }
0xaf: {  	[dreg:$0x2] =	wrdreg s2  }
0xb0: {  	[dreg:$0x3] =	wrdreg s18  }
0xb1: {  	[dreg:$0x4] =	wrdreg s24  }
0xb2: {  	[dreg:$0x5] =	wrdreg $0x82000  }
0xb3: {  	[dreg:$0x6] =	wrdreg $0x9  }
0xb4: {  	_ =	task.clear_ibuf [dreg:s8], $0x7FFFF;
	_ =	strace $0x90000049  }
0xb5: {  	s29 =	simm.s32 $0x9;
	_ =	strace $0x8000004B  }
0xb6: {  	_ =	swait.ge [sflag:s29], $0x1  }
0xb7: {  	[sflag:s29] =	ssyncadd.s32 $0xFFFFFFFF  }
0xb8: {  	_ =	strace $0x9000004B  }
0xb9: {  	_ =	sfence  }
0xba: {  	s30 =	sld [smem:$0x0];
	_ =	sdelay $0x2  }
0xbb: {  	s31 =	sshll.u32 s1, $0xD;
	s1 =	sshrl.u32 s1, $0x2  }
0xbc: {  	s3 =	sand.u32 $0x4000, s31;
	s1 =	sadd.s32 s1, s30  }
0xbd: {  	s0 =	sor.u32 s3, s0;
	s1 =	sshll.u32 s1, $0x11  }
0xbe: {  	s0 =	sor.u32 s1, s0  }
0xbf: {  	s0 =	sadd.s32 $0x8F2B, s0  }
0xc0: {  	[sflag:s0] =	ssyncadd.remote.s32 $0x1  }
0xc1: {  	_ =	sfence.sel $0xFFFF  }
0xc2: {  	[dreg:$0x0] =	wrdreg $0xFFFFFFFF;
	(pc) =	sbr.abs _section_cstart, $3  }
0xc3: {  	[dreg:$0x1] =	wrdreg $0xFFFFFFFF  }
0xc4: {  	_ =	task.clear_ibuf [dreg:s8], $0x2FFFF;
	_ =	strace $0x9FFFFFFF  }
0xc5: {  	(tm) =	ssettm $0x7FFFFFFF  }
tec
execute0_lowered:
.L_overlay_start_1:
0x0: {  	(tag) =	ssettag $0x1  }
0x1: {  	s16 =	rddreg [dreg:$0x0]  }
0x2: {  	s0 =	rddreg [dreg:$0x1]  }
0x3: {  	s6 =	rddreg [dreg:$0x2];
	s1 =	srdreg.scid  }
0x4: {  	s3 =	rddreg [dreg:$0x3];
	s2 =	stileid.u32;
	s4 =	simm.s32 $0x0  }
0x5: {  	s19 =	simm.s32 $0x80;
	s20 =	simm.s32 $0x200;
	s21 =	simm.s32 $0x4200  }
0x6: {  	s22 =	simm.s32 $0x3;
	s23 =	simm.s32 $0x1;
	s7 =	smul.u32 $0x14000, s2  }
0x7: {  	s24 =	simm.s32 $0x2;
	s25 =	simm.s32 $0x180;
	s26 =	smul.u32 $0x50000, s2  }
0x8: {  	s10 =	sand.u32 $0x1, s1;
	s1 =	rddreg [dreg:$0x4];
	s13 =	smul.u32 $0x9C, s2  }
0x9: {  	[smem:$0x7FF] =	sst s4;
	s8 =	sshll.u32 s2, $0x1;
	s5 =	smul.u32 $0x140000, s10  }
0xa: {  	p0 =	sgt.u32 s2, $0x1;
	s8 =	sor.u32 s10, s8;
	s17 =	smul.u32 $0x4E, s10  }
0xb: {  	_ =	strace $0x8000004A;
	s11 =	ssub.s32 $0x2, s10;
	s9 =	smul.u32 $0x4E, s8  }
0xc: {  	s12 =	smin.u32 s8, $0x4;
	s28 =	sshrl.u32 s11, $0x1;
	s31 =	sshrl.u32 s26, $0x2  }
0xd: {  	s26 =	simm.s32 $0x0;
	s7 =	sadd.s32 s7, s5;
	s5 =	sadd.s32 $0x2200, s6  }
0xe: {  	s15 =	ssub.s32 s11, s28;
	s18 =	sadd.s32 s13, s12;
	s7 =	sshrl.u32 s7, $0x3  }
0xf: {  	s29 =	sadd.s32 s12, s9;
	s17 =	sadd.s32 s17, s18;
	s15 =	smax.u32 s15, $0x1  }
0x10: {  	s18 =	simm.s32 $0x100;
	s14 =	sadd.s32 s7, s6;
	s30 =	sshll.u32 s29, $0x5  }
0x11: {  	s7 =	sadd.s32 s31, s3;
	s17 =	sshll.u32 s17, $0x5;
	s6 =	sadd.s32 s16, s30  }
0x12: {  	s9 =	sadd.s32 $0x4000, s7;
	s10 =	sadd.s32 $0x8000, s7;
	s11 =	sadd.s32 $0xC000, s7  }
0x13: {  	s12 =	sadd.s32 $0x10000, s7;
	s14 =	sadd.s32 $0x53200, s14;
	s16 =	sadd.s32 s17, s16  }
0x14: {  	s17 =	simm.s32 $0x4;
	s8 =	sadd.s32 $0x20, s6;
	s13 =	sadd.s32 $0x9C0, s6  }
.LBB2_1:
0x15: {  	[tilespmem:s4], [sflag:$0x4] =	stream.linear.gather [hbm4b:s6+s4], $0x100, $0x38;
	[tilespmem:$0x1C200] =	vst v63  }
0x16: {  	_ =	swait.ge [sflag:s17], $0x100  }
0x17: {  	[sflag:s17] =	ssyncset.done $0x0  }
0x18: {  	[sflag:s17] =	ssyncadd.s32 $0xFFFFFF00  }
0x19: {  	[tilespmem:s18], [sflag:$0x3] =	stream.linear.gather [hbm4b:s8+s4], $0x100, $0x38;
	[tilespmem:$0x1C200] =	vst v63  }
0x1a: {  	_ = 	snop  }
0x1b: {  	[tilespmem:s20], [sflag:$0x1] =	stream.indirect.gather [hbm4b:s0+s19], $0x80, s4, s19, $0xb8;
	[tilespmem:$0x1C200] =	vst v63  }
0x1c: {  	_ = 	snop  }
0x1d: {  	[tilespmem:s21], [sflag:$0x4] =	stream.linear.gather [hbm4b:s5+s4], $0x4000, $0x38;
	[tilespmem:$0x1C200] =	vst v63  }
0x1e: {  	_ =	swait.ge [sflag:s17], $0x4000  }
0x1f: {  	[sflag:s17] =	ssyncset.done $0x0  }
0x20: {  	[sflag:s17] =	ssyncadd.s32 $0xFFFFC000  }
0x21: {  	[spmem:s7] =	stream.linear.scatter [tilespmem:s21], [sflag:$0x4], $0x4000, $0x38;
	[tilespmem:$0x1C200] =	vst v63  }
0x22: {  	_ =	swait.ge [sflag:s17], $0x4000  }
0x23: {  	[sflag:s17] =	ssyncset.done $0x0  }
0x24: {  	[sflag:s17] =	ssyncadd.s32 $0xFFFFC000  }
0x25: {  	[spmem:s9] =	stream.linear.scatter [tilespmem:s21], [sflag:$0x4], $0x4000, $0x38;
	[tilespmem:$0x1C200] =	vst v63  }
0x26: {  	_ =	swait.ge [sflag:s17], $0x4000  }
0x27: {  	[sflag:s17] =	ssyncset.done $0x0  }
0x28: {  	[sflag:s17] =	ssyncadd.s32 $0xFFFFC000  }
0x29: {  	[spmem:s10] =	stream.linear.scatter [tilespmem:s21], [sflag:$0x4], $0x4000, $0x38;
	[tilespmem:$0x1C200] =	vst v63  }
0x2a: {  	_ =	swait.ge [sflag:s17], $0x4000  }
0x2b: {  	[sflag:s17] =	ssyncset.done $0x0  }
0x2c: {  	[sflag:s17] =	ssyncadd.s32 $0xFFFFC000  }
0x2d: {  	[spmem:s11] =	stream.linear.scatter [tilespmem:s21], [sflag:$0x4], $0x4000, $0x38;
	[tilespmem:$0x1C200] =	vst v63  }
0x2e: {  	_ =	swait.ge [sflag:s17], $0x4000  }
0x2f: {  	[sflag:s17] =	ssyncset.done $0x0  }
0x30: {  	[sflag:s17] =	ssyncadd.s32 $0xFFFFC000  }
0x31: {  	[spmem:s12] =	stream.linear.scatter [tilespmem:s21], [sflag:$0x4], $0x4000, $0x38;
	[tilespmem:$0x1C200] =	vst v63  }
0x32: {  	_ =	swait.ge [sflag:s17], $0x4000  }
0x33: {  	[sflag:s17] =	ssyncset.done $0x0  }
0x34: {  	[sflag:s17] =	ssyncadd.s32 $0xFFFFC000  }
0x35: {  	[bflag:$0x0] =	sbarrier.arrive $0xFFFF  }
0x36: {  	_ =	swait.ge [sflag:s22], $0x100  }
0x37: {  	[sflag:s22] =	ssyncset.done $0x0  }
0x38: {  	[sflag:s22] =	ssyncadd.s32 $0xFFFFFF00  }
0x39: {  	[tilespmem:s21], [sflag:$0x2] =	stream.indirect.gather [hbm4b:s0+s19], $0x80, s18, s19, $0xb8;
	[tilespmem:$0x1C200] =	vst v63  }
0x3a: {  	_ =	swait.ge [sflag:s23], $0x4000  }
0x3b: {  	[sflag:s23] =	ssyncset.done $0x0  }
0x3c: {  	[sflag:s23] =	ssyncadd.s32 $0xFFFFC000  }
0x3d: {  	[spmem:s3] =	stream.indirect.scatter.add.f32 [tilespmem:s20], [sflag:$0x4], $0x80, s19, s19, $0xb8;
	[tilespmem:$0x1C200] =	vst v63  }
0x3e: {  	_ =	swait.ge [sflag:s17], $0x4000  }
0x3f: {  	s29 =	sadd.s32 $0xFFFFF680, s16;
	[sflag:s17] =	ssyncset.done $0x0  }
0x40: {  	s28 =	sadd.s32 $0x9C0, s29;
	[sflag:s17] =	ssyncadd.s32 $0xFFFFC000  }
0x41: {  	[tilespmem:s4], [sflag:$0x4] =	stream.linear.gather [hbm4b:s28+s4], $0x100, $0x38;
	[tilespmem:$0x1C200] =	vst v63  }
0x42: {  	_ =	swait.ge [sflag:s17], $0x100  }
0x43: {  	[sflag:s17] =	ssyncset.done $0x0  }
0x44: {  	[sflag:s17] =	ssyncadd.s32 $0xFFFFFF00  }
0x45: {  	[tilespmem:s20], [sflag:$0x1] =	stream.indirect.gather [hbm4b:s0+s19], $0x80, s4, s19, $0xb8;
	[tilespmem:$0x1C200] =	vst v63  }
0x46: {  	_ =	swait.ge [sflag:s24], $0x4000  }
0x47: {  	[sflag:s24] =	ssyncset.done $0x0  }
0x48: {  	[sflag:s24] =	ssyncadd.s32 $0xFFFFC000  }
0x49: {  	[spmem:s3] =	stream.indirect.scatter.add.f32 [tilespmem:s21], [sflag:$0x4], $0x80, s25, s19, $0xb8;
	[tilespmem:$0x1C200] =	vst v63  }
0x4a: {  	_ =	swait.ge [sflag:s17], $0x4000  }
0x4b: {  	[sflag:s17] =	ssyncset.done $0x0  }
0x4c: {  	s29 =	sadd.s32 $0x9E0, s29;
	s28 =	simm.s32 $0xFFFFF6C0;
	[sflag:s17] =	ssyncadd.s32 $0xFFFFC000  }
.LBB2_2:
0x4d: {  	[tilespmem:s18], [sflag:$0x3] =	stream.linear.gather [hbm4b:s29+s4], $0x100, $0x38;
	[tilespmem:$0x1C200] =	vst v63  }
0x4e: {  	s29 =	smov.u32 s28  }
0x4f: {  	p1 =	sne.s32 s28, $0xFFFFFFC0;
	s28 =	sadd.s32 $0x40, s28;
	_ =	swait.ge [sflag:s22], $0x100  }
0x50: {  	[sflag:s22] =	ssyncset.done $0x0  }
0x51: {  	[sflag:s22] =	ssyncadd.s32 $0xFFFFFF00  }
0x52: {  	[tilespmem:s21], [sflag:$0x2] =	stream.indirect.gather [hbm4b:s0+s19], $0x80, s18, s19, $0xb8;
	[tilespmem:$0x1C200] =	vst v63  }
0x53: {  	_ =	swait.ge [sflag:s23], $0x4000  }
0x54: {  	[sflag:s23] =	ssyncset.done $0x0  }
0x55: {  	[sflag:s23] =	ssyncadd.s32 $0xFFFFC000  }
0x56: {  	[spmem:s3] =	stream.indirect.scatter.add.f32 [tilespmem:s20], [sflag:$0x4], $0x80, s19, s19, $0xb8;
	[tilespmem:$0x1C200] =	vst v63  }
0x57: {  	_ =	swait.ge [sflag:s17], $0x4000  }
0x58: {  	s29 =	sadd.s32 s29, s16;
	[sflag:s17] =	ssyncset.done $0x0  }
0x59: {  	s30 =	sadd.s32 $0x9C0, s29;
	[sflag:s17] =	ssyncadd.s32 $0xFFFFC000  }
0x5a: {  	[tilespmem:s4], [sflag:$0x4] =	stream.linear.gather [hbm4b:s30+s4], $0x100, $0x38;
	[tilespmem:$0x1C200] =	vst v63  }
0x5b: {  	_ =	swait.ge [sflag:s17], $0x100  }
0x5c: {  	[sflag:s17] =	ssyncset.done $0x0  }
0x5d: {  	[sflag:s17] =	ssyncadd.s32 $0xFFFFFF00  }
0x5e: {  	[tilespmem:s20], [sflag:$0x1] =	stream.indirect.gather [hbm4b:s0+s19], $0x80, s4, s19, $0xb8;
	[tilespmem:$0x1C200] =	vst v63  }
0x5f: {  	_ =	swait.ge [sflag:s24], $0x4000  }
0x60: {  	[sflag:s24] =	ssyncset.done $0x0  }
.Ltmp0:
0x61: {  	[sflag:s24] =	ssyncadd.s32 $0xFFFFC000;
	(pc) =	sbr.rel @p1 .LBB2_2-.Ltmp0, $4  }
0x62: {  	[spmem:s3] =	stream.indirect.scatter.add.f32 [tilespmem:s21], [sflag:$0x4], $0x80, s25, s19, $0xb8;
	[tilespmem:$0x1C200] =	vst v63  }
0x63: {  	_ =	swait.ge [sflag:s17], $0x4000  }
0x64: {  	[sflag:s17] =	ssyncset.done $0x0  }
0x65: {  	s29 =	sadd.s32 $0x9E0, s29;
	[sflag:s17] =	ssyncadd.s32 $0xFFFFC000  }
0x66: {  	[tilespmem:s18], [sflag:$0x3] =	stream.linear.gather [hbm4b:s29+s4], $0x100, $0x38;
	[tilespmem:$0x1C200] =	vst v63  }
0x67: {  	_ =	swait.ge [sflag:s22], $0x100  }
0x68: {  	[sflag:s22] =	ssyncset.done $0x0  }
0x69: {  	[sflag:s22] =	ssyncadd.s32 $0xFFFFFF00  }
0x6a: {  	[tilespmem:s21], [sflag:$0x2] =	stream.indirect.gather [hbm4b:s0+s19], $0x80, s18, s19, $0xb8;
	[tilespmem:$0x1C200] =	vst v63  }
0x6b: {  	_ =	swait.ge [sflag:s23], $0x4000  }
0x6c: {  	[sflag:s23] =	ssyncset.done $0x0  }
0x6d: {  	[sflag:s23] =	ssyncadd.s32 $0xFFFFC000  }
0x6e: {  	[spmem:s3] =	stream.indirect.scatter.add.f32 [tilespmem:s20], [sflag:$0x4], $0x80, s19, s19, $0xb8;
	[tilespmem:$0x1C200] =	vst v63  }
0x6f: {  	_ =	swait.ge [sflag:s17], $0x4000  }
0x70: {  	[sflag:s17] =	ssyncset.done $0x0  }
0x71: {  	[sflag:s17] =	ssyncadd.s32 $0xFFFFC000  }
0x72: {  	_ =	swait.ge [sflag:s24], $0x4000  }
0x73: {  	[sflag:s24] =	ssyncset.done $0x0  }
0x74: {  	[sflag:s24] =	ssyncadd.s32 $0xFFFFC000  }
0x75: {  	[spmem:s3] =	stream.indirect.scatter.add.f32 [tilespmem:s21], [sflag:$0x4], $0x80, s25, s19, $0xb8;
	[tilespmem:$0x1C200] =	vst v63  }
0x76: {  	_ =	swait.ge [sflag:s17], $0x4000  }
0x77: {  	[sflag:s17] =	ssyncset.done $0x0  }
0x78: {  	s28 =	simm.s32 @!p0 $0x0;
	s29 =	simm.s32 @!p0 $0x4;
	[sflag:s17] =	ssyncadd.s32 $0xFFFFC000  }
0x79: {  	[tilespmem:s28], [sflag:$0x4] =	stream.linear.gather @!p0 [hbm4b:s13+s28], $0x100, $0x38;
	[tilespmem:$0x1C200] =	vst v63  }
0x7a: {  	_ =	swait.ge @!p0 [sflag:s29], $0x100  }
0x7b: {  	[sflag:s29] =	ssyncset.done @!p0 $0x0  }
0x7c: {  	s30 =	simm.s32 @!p0 $0x80;
	s31 =	simm.s32 @!p0 $0x200;
	[sflag:s29] =	ssyncadd.s32 @!p0 $0xFFFFFF00  }
0x7d: {  	[tilespmem:s31], [sflag:$0x1] =	stream.indirect.gather @!p0 [hbm4b:s0+s30], $0x80, s28, s30, $0xb8;
	[tilespmem:$0x1C200] =	vst v63  }
0x7e: {  	s28 =	simm.s32 @!p0 $0x1  }
0x7f: {  	_ =	swait.ge @!p0 [sflag:s28], $0x4000  }
0x80: {  	[sflag:s28] =	ssyncset.done @!p0 $0x0  }
0x81: {  	[sflag:s28] =	ssyncadd.s32 @!p0 $0xFFFFC000  }
0x82: {  	[spmem:s3] =	stream.indirect.scatter.add.f32 @!p0 [tilespmem:s31], [sflag:$0x4], $0x80, s30, s30, $0xb8;
	[tilespmem:$0x1C200] =	vst v63  }
0x83: {  	s26 =	sadd.s32 $0x1, s26;
	_ =	swait.ge @!p0 [sflag:s29], $0x4000  }
0x84: {  	p1 =	sne.s32 s26, s15;
	[sflag:s29] =	ssyncset.done @!p0 $0x0  }
0x85: {  	s30 =	sshll.u32 s2, $0x6;
	s31 =	sshrl.u32 s7, $0x3;
	[sflag:s29] =	ssyncadd.s32 @!p0 $0xFFFFC000  }
.Ltmp1:
0x86: {  	s28 =	sor.u32 $0x1C04, s30;
	[bflag:$0x0] =	sbarrier.arrive $0xFFFF;
	(pc) =	sbr.rel @p1 .LBB2_1-.Ltmp1, $4  }
0x87: {  	[hbm:s14], [sflag:s28] =	dma.local [spmem:s31], $0x2800  }
0x88: {  	_ =	swait.ge [sflag:s17], $0x2800  }
0x89: {  	[sflag:s17] =	ssyncset.done $0x0  }
0x8a: {  	[sflag:s17] =	ssyncadd.s32 $0xFFFFD800  }
0x8b: {  	_ =	sfence.sel $0x180000  }
0x8c: {  	[bflag:$0x0] =	sbarrier.arrive $0xFFFF  }
0x8d: {  	p0 =	sne.s32 s2, $0x0;
	_ =	strace $0x9000004A  }
0x8e: {  	s0 =	sadd.s32 @!p0 $0x100000, s1;
	[bflag:$0x2] =	sbarrier.arrive $0xFFFF  }
0x8f: {  	[sflag:s0] =	ssyncadd.tile.s32 @!p0 $0x1;
	_ =	shalt  }
.Lfunc_end2:
_tile_overlayer_lowered:
.L_overlay_start_2:
0x90: {  	(tag) =	ssettag $0x2  }
0x91: {  	s0 =	rddreg [dreg:$0x0];
	s2 =	stileid.u32  }
0x92: {  	s1 =	rddreg [dreg:$0x1];
	p0 =	sne.s32 s2, $0x0  }
0x93: {  	s3 =	rddreg [dreg:$0x2];
	[bflag:$0x3] =	sbarrier.arrive $0xFFFF;
	s2 =	simm.s32 @!p0 $0x1C04  }
0x94: {  	[timem:s3], [sflag:s2] =	dma.local @!p0 [hbm:s0], s1  }
0x95: {  	s0 =	simm.s32 @!p0 $0x4  }
0x96: {  	_ =	swait.ge @!p0 [sflag:s0], s1  }
0x97: {  	s1 =	ssub.s32 @!p0 $0x0, s1;
	[sflag:s0] =	ssyncset.done @!p0 $0x0  }
0x98: {  	[sflag:s0] =	ssyncadd.s32 @!p0 s1  }
0x99: {  	[bflag:$0x3] =	sbarrier.arrive $0xFFFF  }
0x9a: {  	_ =	shalt  }

// kernel: kernel.7.cloned.1.call-start
scs
__scs_entry_jumppad:
0x0: {  	(pc) =	sbr.rel $0x88, $3  }
0x1: {  	(tag) =	ssettag $0x0;
	lr =	simm.s32 $0x1  }
0x2: {  	[smem:$0x3F9C] =	sst lr;
	_ =	strace $0xD0000000  }
0x3: {  	_ = 	snop  }
0x4: {  	_ = 	snop  }
0x5: {  	_ = 	snop  }
0x6: {  	_ = 	snop  }
0x7: {  	_ = 	snop  }
__scs_overlays_trampoline_lowered:
0x8: {  	[smem:$0x3FAB] =	sst s0  }
0x9: {  	[smem:$0x3FAC] =	sst s1  }
0xa: {  	[smem:$0x3FAD] =	sst s2  }
0xb: {  	[smem:$0x3FAE] =	sst s3  }
0xc: {  	[smem:$0x3FAF] =	sst s4  }
0xd: {  	[smem:$0x3FB0] =	sst s5  }
0xe: {  	[smem:$0x3FB1] =	sst s6  }
0xf: {  	[smem:$0x3FB2] =	sst s7  }
0x10: {  	[smem:$0x3FB3] =	sst s8  }
0x11: {  	[smem:$0x3FB4] =	sst s9;
	s0 =	simm.s32 @!p0 $0x0  }
0x12: {  	s1 =	sld [smem:$0x3F9A];
	s0 =	simm.s32 @p0 $0x1  }
0x13: {  	[smem:$0x3FB5] =	sst s0;
	s0 =	simm.s32 @!p1 $0x0  }
0x14: {  	s2 =	sld [smem:$0x3F99];
	s0 =	simm.s32 @p1 $0x1  }
0x15: {  	[smem:$0x3FB6] =	sst s0;
	s0 =	simm.s32 @!p2 $0x0  }
0x16: {  	s3 =	sld [smem:$0x3FDB];
	s0 =	simm.s32 @p2 $0x1  }
0x17: {  	s4 =	simm.s32 $0x1BF5;
	[smem:$0x3FB8] =	sst s0  }
0x18: {  	s0 =	sld [smem:$0x3F9B];
	_ =	swait.ge [sflag:s4], $0x0  }
0x19: {  	s7 =	sld [smem:$0x3F9C]  }
0x1a: {  	s8 =	sadd.s32 $0xFFFFE003, lr  }
0x1b: {  	s9 =	sadd.s32 $0xFFFFFEF7, lr;
	s5 =	simm.s32 $0xFFFFFFFF;
	p2 =	slt.u32 s8, $0xFFFFF086  }
0x1c: {  	p1 =	slt.u32 s9, $0xF7A;
	s5 =	simm.s32 @!p2 $0x0  }
0x1d: {  	s5 =	simm.s32 @p1 $0x1;
	p0 =	seq.s32 s7, s2  }
0x1e: {  	s7 =	smul.u32 @!p0 $0xF7A, s2;
	p2 =	seq.s32 @!p0 s5, $0x0  }
0x1f: {  	s9 =	smul.u32 $0xF7A, s1;
	s8 =	simm.s32 @!p0 $0x1BF5;
	p2 =	por !p2, p0  }
0x20: {  	[sflag:s8] =	ssyncset.s32 @!p0 $0xFFFFF086;
	s6 =	sadd.s32 @!p0 s3, s7;
	s7 =	simm.s32 @!p0 $0x108  }
0x21: {  	s3 =	sadd.s32 s3, s9;
	s6 =	sadd.s32 @!p0 $0x88, s6;
	s7 =	simm.s32 @p2 $0x1082  }
0x22: {  	[simem:s7], [sflag:s8] =	dma.local @!p0 [hbm:s6], $0xF7A  }
0x23: {  	s9 =	sor.u32 $0xD0000000, s2;
	s6 =	simm.s32 $0x108;
	_ =	swait.ge @!p0 [sflag:s8], $0x0  }
0x24: {  	s3 =	sadd.s32 $0x88, s3;
	s6 =	simm.s32 @!p1 $0x1082;
	[sflag:s4] =	ssyncset.s32 $0xFFFFF086  }
0x25: {  	[simem:s6], [sflag:s4] =	dma.local [hbm:s3], $0xF7A  }
0x26: {  	[smem:$0x3F9C] =	sst s1;
	(tag) =	ssettag s2;
	_ =	strace s9  }
0x27: {  	s1 =	sld [smem:$0x3FAC]  }
0x28: {  	s2 =	sld [smem:$0x3FAD]  }
0x29: {  	s4 =	sld [smem:$0x3FAF]  }
0x2a: {  	p0 =	seq.s32 s5, $0x0;
	s5 =	sld [smem:$0x3FB0]  }
0x2b: {  	s6 =	sld [smem:$0x3FB1]  }
0x2c: {  	s7 =	sld [smem:$0x3FB2]  }
0x2d: {  	s3 =	simm.s32 $0x108;
	s8 =	sld [smem:$0x3FB3]  }
0x2e: {  	s3 =	simm.s32 @!p0 $0x1082;
	s9 =	sld [smem:$0x3FB4]  }
0x2f: {  	lr =	sadd.s32 s0, s3;
	s0 =	sld [smem:$0x3FAB]  }
0x30: {  	s3 =	sld [smem:$0x3FAE]  }
0x31: {  	[smem:$0x3FB7] =	sst s10  }
0x32: {  	s10 =	sld [smem:$0x3FB5];
	_ =	sdelay $0x3  }
0x33: {  	p0 =	seq.s32 s10, $0x1;
	s10 =	sld [smem:$0x3FB7];
	_ =	sdelay $0x3  }
0x34: {  	[smem:$0x3FB7] =	sst s10  }
0x35: {  	s10 =	sld [smem:$0x3FB6];
	_ =	sdelay $0x3  }
0x36: {  	p1 =	seq.s32 s10, $0x1;
	s10 =	sld [smem:$0x3FB7];
	_ =	sdelay $0x3  }
0x37: {  	[smem:$0x3FB7] =	sst s10  }
0x38: {  	s10 =	sld [smem:$0x3FB8]  }
0x39: {  	_ = 	snop;
	(pc) =	sbr.ind lr, $3  }
0x3a: {  	_ = 	snop  }
0x3b: {  	_ = 	snop  }
0x3c: {  	p2 =	seq.s32 s10, $0x1;
	s10 =	sld [smem:$0x3FB7]  }
0x3d: {  	_ =	shalt  }
0x3e: {  	_ =	shalt  }
0x3f: {  	_ =	shalt  }
0x40: {  	_ =	shalt  }
0x41: {  	_ =	shalt  }
0x42: {  	_ =	shalt  }
0x43: {  	_ =	shalt  }
0x44: {  	_ =	shalt  }
0x45: {  	_ =	shalt  }
0x46: {  	_ =	shalt  }
0x47: {  	_ =	shalt  }
0x48: {  	_ =	shalt  }
0x49: {  	_ =	shalt  }
0x4a: {  	_ =	shalt  }
0x4b: {  	_ =	shalt  }
0x4c: {  	_ =	shalt  }
0x4d: {  	_ =	shalt  }
0x4e: {  	_ =	shalt  }
0x4f: {  	_ =	shalt  }
0x50: {  	_ =	shalt  }
0x51: {  	_ =	shalt  }
0x52: {  	_ =	shalt  }
0x53: {  	_ =	shalt  }
0x54: {  	_ =	shalt  }
0x55: {  	_ =	shalt  }
0x56: {  	_ =	shalt  }
0x57: {  	_ =	shalt  }
0x58: {  	_ =	shalt  }
0x59: {  	_ =	shalt  }
0x5a: {  	_ =	shalt  }
0x5b: {  	_ =	shalt  }
0x5c: {  	_ =	shalt  }
0x5d: {  	_ =	shalt  }
0x5e: {  	_ =	shalt  }
0x5f: {  	_ =	shalt  }
0x60: {  	_ =	shalt  }
0x61: {  	_ =	shalt  }
0x62: {  	_ =	shalt  }
0x63: {  	_ =	shalt  }
0x64: {  	_ =	shalt  }
0x65: {  	_ =	shalt  }
0x66: {  	_ =	shalt  }
0x67: {  	_ =	shalt  }
0x68: {  	_ =	shalt  }
0x69: {  	_ =	shalt  }
0x6a: {  	_ =	shalt  }
0x6b: {  	_ =	shalt  }
0x6c: {  	_ =	shalt  }
0x6d: {  	_ =	shalt  }
0x6e: {  	_ =	shalt  }
0x6f: {  	_ =	shalt  }
0x70: {  	_ =	shalt  }
0x71: {  	_ =	shalt  }
0x72: {  	_ =	shalt  }
0x73: {  	_ =	shalt  }
0x74: {  	_ =	shalt  }
0x75: {  	_ =	shalt  }
0x76: {  	_ =	shalt  }
0x77: {  	_ =	shalt  }
0x78: {  	_ =	shalt  }
0x79: {  	_ =	shalt  }
0x7a: {  	_ =	shalt  }
0x7b: {  	_ =	shalt  }
0x7c: {  	_ =	shalt  }
0x7d: {  	_ =	shalt  }
0x7e: {  	_ =	shalt  }
0x7f: {  	_ =	shalt  }
0x80: {  	_ =	shalt  }
0x81: {  	_ =	shalt  }
0x82: {  	_ =	shalt  }
0x83: {  	_ =	shalt  }
0x84: {  	_ =	shalt  }
0x85: {  	_ =	shalt  }
0x86: {  	_ =	shalt  }
0x87: {  	_ =	shalt  }
.Lfunc_end0:
.L_simem_size_0:
called_computation_lowered:
.L_overlay_start_0:
0x88: {  	s2 =	sld [smem:$0x3FD9]  }
0x89: {  	s3 =	sld [smem:$0x3FFE];
	_ =	sdelay $0x1  }
0x8a: {  	s1 =	srdreg.scid  }
0x8b: {  	s0 =	sand.u32 $0x1, s1  }
0x8c: {  	s17 =	sshll.u32 s0, $0xA;
	s2 =	sadd.s32 s3, s2  }
0x8d: {  	s2 =	sadd.s32 s2, s17  }
0x8e: {  	[smem:$0x3FC3] =	sst s2  }
0x8f: {  	_ = 	snop  }
0x90: {  	s2 =	sld [smem:$0x3FD0];
	(tm) =	ssettm $0x1  }
0x91: {  	s18 =	sld [smem:$0x3FFB];
	_ =	sdelay $0x3  }
0x92: {  	_ =	strace s18  }
0x93: {  	s3 =	sld [smem:$0x3FFC];
	_ =	sdelay $0x3  }
0x94: {  	_ =	strace s3  }
0x95: {  	s3 =	sld [smem:$0x3FFD];
	_ =	sdelay $0x3  }
0x96: {  	_ =	strace s3  }
0x97: {  	_ =	strace $0x8FFFFFFF  }
0x98: {  	s19 =	sld [smem:$0x3FDB];
	_ =	sdelay $0x1  }
0x99: {  	s4 =	simm.s32 $_scs_section_size  }
0x9a: {  	s5 =	simm.s32 $_size__tile_overlayer_lowered;
	s6 =	simm.s32 $_tile_overlayer_lowered  }
0x9b: {  	s22 =	simm.s32 $0x1BFF;
	s21 =	sshll.u32 s6, $0x1;
	s3 =	sadd.s32 s4, s19  }
0x9c: {  	s7 =	simm.s32 $0x0;
	s20 =	sshll.u32 s5, $0x1;
	s5 =	sadd.s32 s21, s3  }
0x9d: {  	[timem:s7], [sflag:s22] =	dma.local [hbm:s5], s20  }
0x9e: {  	_ =	swait.ge [sflag:s22], s20  }
0x9f: {  	s4 =	ssub.s32 $0x0, s20;
	[sflag:s22] =	ssyncset.done $0x0  }
0xa0: {  	[sflag:s22] =	ssyncadd.s32 s4;
	_ =	sdelay $0x1  }
0xa1: {  	s23 =	simm.s32 $0x1B8B  }
0xa2: {  	_ =	swait.ge [sflag:s23], $0x1  }
0xa3: {  	[sflag:s23] =	ssyncset.done $0x0  }
0xa4: {  	s25 =	simm.s32 $0x1B8E;
	s24 =	sld [smem:$0x3FFE];
	[sflag:s23] =	ssyncadd.s32 $0xFFFFFFFF  }
0xa5: {  	s26 =	simm.s32 $execute0_lowered;
	[smem:$0x3FD2] =	sst s25  }
0xa6: {  	s5 =	sshll.u32 s26, $0x1;
	_ =	strace $0x80000046;
	[dreg:$0x1] =	wrdreg $0xFFFFFFFF  }
0xa7: {  	s28 =	simm.s32 $_size_execute0_lowered;
	s3 =	sadd.s32 s3, s5;
	[dreg:$0x0] =	wrdreg $0x0  }
0xa8: {  	s5 =	sshll.u32 s28, $0x1;
	[dreg:$0x2] =	wrdreg s3  }
0xa9: {  	[dreg:$0x3] =	wrdreg s5  }
0xaa: {  	[dreg:$0x4] =	wrdreg $0xC0  }
0xab: {  	_ =	task [dreg:s7], $0x5FFFF  }
0xac: {  	[dreg:$0x1] =	wrdreg $0xFFFFFFFF  }
0xad: {  	[dreg:$0x0] =	wrdreg $0x60  }
0xae: {  	[dreg:$0x2] =	wrdreg s2  }
0xaf: {  	[dreg:$0x3] =	wrdreg s24  }
0xb0: {  	[dreg:$0x4] =	wrdreg $0xA8000  }
0xb1: {  	[dreg:$0x5] =	wrdreg $0x9  }
0xb2: {  	_ =	task.clear_ibuf [dreg:s7], $0x6FFFF;
	_ =	strace $0x90000046  }
0xb3: {  	s29 =	simm.s32 $0x9;
	_ =	strace $0x80000048  }
0xb4: {  	_ =	swait.ge [sflag:s29], $0x1  }
0xb5: {  	[sflag:s29] =	ssyncadd.s32 $0xFFFFFFFF  }
0xb6: {  	_ =	strace $0x90000048  }
0xb7: {  	_ =	sfence  }
0xb8: {  	s30 =	sld [smem:$0x0];
	_ =	sdelay $0x2  }
0xb9: {  	s31 =	sshll.u32 s1, $0xD;
	s1 =	sshrl.u32 s1, $0x2  }
0xba: {  	s3 =	sand.u32 $0x4000, s31;
	s1 =	sadd.s32 s1, s30  }
0xbb: {  	s0 =	sor.u32 s3, s0;
	s1 =	sshll.u32 s1, $0x11  }
0xbc: {  	s0 =	sor.u32 s1, s0  }
0xbd: {  	s0 =	sadd.s32 $0x8F2B, s0  }
0xbe: {  	[sflag:s0] =	ssyncadd.remote.s32 $0x1  }
0xbf: {  	_ =	sfence.sel $0xFFFF  }
0xc0: {  	[dreg:$0x0] =	wrdreg $0xFFFFFFFF;
	(pc) =	sbr.abs _section_cstart, $3  }
0xc1: {  	[dreg:$0x1] =	wrdreg $0xFFFFFFFF  }
0xc2: {  	_ =	task.clear_ibuf [dreg:s7], $0x2FFFF;
	_ =	strace $0x9FFFFFFF  }
0xc3: {  	(tm) =	ssettm $0x7FFFFFFF  }
tec
execute0_lowered:
.L_overlay_start_1:
0x0: {  	(tag) =	ssettag $0x1  }
0x1: {  	s6 =	rddreg [dreg:$0x0]  }
0x2: {  	s5 =	rddreg [dreg:$0x1]  }
0x3: {  	s1 =	rddreg [dreg:$0x2]  }
0x4: {  	s2 =	srdreg.scid;
	s0 =	rddreg [dreg:$0x3];
	s3 =	simm.s32 $0x0  }
0x5: {  	s14 =	simm.s32 $0x2;
	s15 =	simm.s32 $0x4000;
	s16 =	simm.s32 $0x8000  }
0x6: {  	s17 =	simm.s32 $0x80;
	s18 =	simm.s32 $0x1;
	s7 =	sand.u32 $0x1, s2  }
0x7: {  	s21 =	simm.s32 $0x0;
	s2 =	stileid.u32;
	s8 =	smul.u32 $0x140000, s7  }
0x8: {  	[smem:$0x7FF] =	sst s3;
	s4 =	sadd.s32 $0x2200, s5;
	s9 =	smul.u32 $0x14000, s2  }
0x9: {  	_ =	strace $0x80000047;
	s29 =	sshll.u32 s2, $0x1;
	s10 =	ssub.s32 $0x2, s7  }
0xa: {  	s30 =	smul.u32 $0x50000, s2;
	s19 =	sshll.u32 s2, $0x6;
	s7 =	sor.u32 s7, s29  }
0xb: {  	s11 =	sshrl.u32 s10, $0x1;
	s19 =	sor.u32 $0x1C02, s19;
	s8 =	sadd.s32 s9, s8  }
0xc: {  	s7 =	smul.u32 $0x500, s7;
	s13 =	ssub.s32 s10, s11;
	s8 =	sshrl.u32 s8, $0x3  }
0xd: {  	s31 =	sshrl.u32 s30, $0x2;
	s13 =	smax.u32 s13, $0x1;
	s12 =	sadd.s32 s8, s5  }
0xe: {  	s5 =	sadd.s32 $0x2A00, s5;
	s6 =	sadd.s32 s6, s7;
	s7 =	sadd.s32 s31, s1  }
0xf: {  	s8 =	sadd.s32 $0x4000, s7;
	s9 =	sadd.s32 $0x8000, s7;
	s10 =	sadd.s32 $0xC000, s7  }
0x10: {  	s11 =	sadd.s32 $0x10000, s7;
	s12 =	sadd.s32 $0x3200, s12;
	s20 =	sshrl.u32 s7, $0x3  }
.LBB2_1:
0x11: {  	[tilespmem:s3], [sflag:$0x2] =	stream.linear.gather [hbm4b:s4+s3], $0x4000, $0x38;
	[tilespmem:$0xD000] =	vst v63  }
0x12: {  	_ =	swait.ge [sflag:s14], $0x4000  }
0x13: {  	[sflag:s14] =	ssyncset.done $0x0  }
0x14: {  	[sflag:s14] =	ssyncadd.s32 $0xFFFFC000  }
0x15: {  	[tilespmem:s15], [sflag:$0x2] =	stream.linear.gather [hbm4b:s5+s3], $0x4000, $0x38;
	[tilespmem:$0xD000] =	vst v63  }
0x16: {  	_ =	swait.ge [sflag:s14], $0x4000  }
0x17: {  	[sflag:s14] =	ssyncset.done $0x0  }
0x18: {  	[sflag:s14] =	ssyncadd.s32 $0xFFFFC000  }
0x19: {  	[tilespmem:s16], [sflag:$0x2] =	stream.linear.gather [hbm4b:s6+s3], $0x2800, $0x38;
	[tilespmem:$0xD000] =	vst v63  }
0x1a: {  	_ =	swait.ge [sflag:s14], $0x2800  }
0x1b: {  	[sflag:s14] =	ssyncset.done $0x0  }
0x1c: {  	[sflag:s14] =	ssyncadd.s32 $0xFFFFD800  }
0x1d: {  	[spmem:s7] =	stream.linear.scatter [tilespmem:s3], [sflag:$0x2], $0x4000, $0x38;
	[tilespmem:$0xD000] =	vst v63  }
0x1e: {  	_ =	swait.ge [sflag:s14], $0x4000  }
0x1f: {  	[sflag:s14] =	ssyncset.done $0x0  }
0x20: {  	[sflag:s14] =	ssyncadd.s32 $0xFFFFC000  }
0x21: {  	[spmem:s8] =	stream.linear.scatter [tilespmem:s3], [sflag:$0x2], $0x4000, $0x38;
	[tilespmem:$0xD000] =	vst v63  }
0x22: {  	_ =	swait.ge [sflag:s14], $0x4000  }
0x23: {  	[sflag:s14] =	ssyncset.done $0x0  }
0x24: {  	[sflag:s14] =	ssyncadd.s32 $0xFFFFC000  }
0x25: {  	[spmem:s9] =	stream.linear.scatter [tilespmem:s3], [sflag:$0x2], $0x4000, $0x38;
	[tilespmem:$0xD000] =	vst v63  }
0x26: {  	_ =	swait.ge [sflag:s14], $0x4000  }
0x27: {  	[sflag:s14] =	ssyncset.done $0x0  }
0x28: {  	[sflag:s14] =	ssyncadd.s32 $0xFFFFC000  }
0x29: {  	[spmem:s10] =	stream.linear.scatter [tilespmem:s3], [sflag:$0x2], $0x4000, $0x38;
	[tilespmem:$0xD000] =	vst v63  }
0x2a: {  	_ =	swait.ge [sflag:s14], $0x4000  }
0x2b: {  	[sflag:s14] =	ssyncset.done $0x0  }
0x2c: {  	[sflag:s14] =	ssyncadd.s32 $0xFFFFC000  }
0x2d: {  	[spmem:s11] =	stream.linear.scatter [tilespmem:s3], [sflag:$0x2], $0x4000, $0x38;
	[tilespmem:$0xD000] =	vst v63  }
0x2e: {  	_ =	swait.ge [sflag:s14], $0x4000  }
0x2f: {  	[sflag:s14] =	ssyncset.done $0x0  }
0x30: {  	[sflag:s14] =	ssyncadd.s32 $0xFFFFC000  }
0x31: {  	s22 =	simm.s32 $0x8000;
	[bflag:$0x0] =	sbarrier.arrive $0xFFFF  }
0x32: {  	[spmem:s1] =	stream.indirect.scatter.add.f32 [tilespmem:s15], [sflag:$0x1], $0x10, s22, s17, $0xb8;
	[tilespmem:$0xD000] =	vst v63  }
0x33: {  	s24 =	simm.s32 $0x8080  }
0x34: {  	[spmem:s1] =	stream.indirect.scatter.add.f32 [tilespmem:s15], [sflag:$0x1], $0x10, s24, s17, $0xb8;
	[tilespmem:$0xD000] =	vst v63  }
0x35: {  	s25 =	simm.s32 $0x8100  }
0x36: {  	[spmem:s1] =	stream.indirect.scatter.add.f32 [tilespmem:s15], [sflag:$0x1], $0x10, s25, s17, $0xb8;
	[tilespmem:$0xD000] =	vst v63  }
0x37: {  	s26 =	simm.s32 $0x8180  }
0x38: {  	[spmem:s1] =	stream.indirect.scatter.add.f32 [tilespmem:s15], [sflag:$0x1], $0x10, s26, s17, $0xb8;
	[tilespmem:$0xD000] =	vst v63  }
0x39: {  	s28 =	simm.s32 $0x8200  }
0x3a: {  	[spmem:s1] =	stream.indirect.scatter.add.f32 [tilespmem:s15], [sflag:$0x1], $0x10, s28, s17, $0xb8;
	[tilespmem:$0xD000] =	vst v63  }
0x3b: {  	s29 =	simm.s32 $0x8280  }
0x3c: {  	[spmem:s1] =	stream.indirect.scatter.add.f32 [tilespmem:s15], [sflag:$0x1], $0x10, s29, s17, $0xb8;
	[tilespmem:$0xD000] =	vst v63  }
0x3d: {  	s30 =	simm.s32 $0x8300  }
0x3e: {  	[spmem:s1] =	stream.indirect.scatter.add.f32 [tilespmem:s15], [sflag:$0x1], $0x10, s30, s17, $0xb8;
	[tilespmem:$0xD000] =	vst v63  }
0x3f: {  	s31 =	simm.s32 $0x8380  }
0x40: {  	[spmem:s1] =	stream.indirect.scatter.add.f32 [tilespmem:s15], [sflag:$0x1], $0x10, s31, s17, $0xb8;
	[tilespmem:$0xD000] =	vst v63  }
0x41: {  	_ =	swait.ge [sflag:s18], $0x800  }
0x42: {  	[sflag:s18] =	ssyncset.done $0x0  }
0x43: {  	[sflag:s18] =	ssyncadd.s32 $0xFFFFF800  }
0x44: {  	_ =	swait.ge [sflag:s18], $0x800  }
0x45: {  	[sflag:s18] =	ssyncset.done $0x0  }
0x46: {  	[sflag:s18] =	ssyncadd.s32 $0xFFFFF800  }
0x47: {  	_ =	swait.ge [sflag:s18], $0x800  }
0x48: {  	[sflag:s18] =	ssyncset.done $0x0  }
0x49: {  	[sflag:s18] =	ssyncadd.s32 $0xFFFFF800  }
0x4a: {  	_ =	swait.ge [sflag:s18], $0x800  }
0x4b: {  	[sflag:s18] =	ssyncset.done $0x0  }
0x4c: {  	[sflag:s18] =	ssyncadd.s32 $0xFFFFF800  }
0x4d: {  	_ =	swait.ge [sflag:s18], $0x800  }
0x4e: {  	[sflag:s18] =	ssyncset.done $0x0  }
0x4f: {  	[sflag:s18] =	ssyncadd.s32 $0xFFFFF800  }
0x50: {  	_ =	swait.ge [sflag:s18], $0x800  }
0x51: {  	[sflag:s18] =	ssyncset.done $0x0  }
0x52: {  	[sflag:s18] =	ssyncadd.s32 $0xFFFFF800  }
0x53: {  	_ =	swait.ge [sflag:s18], $0x800  }
0x54: {  	[sflag:s18] =	ssyncset.done $0x0  }
0x55: {  	[sflag:s18] =	ssyncadd.s32 $0xFFFFF800  }
0x56: {  	_ =	swait.ge [sflag:s18], $0x800  }
0x57: {  	s24 =	simm.s32 $0x400;
	s25 =	simm.s32 $0x2000;
	[sflag:s18] =	ssyncset.done $0x0  }
.LBB2_2:
0x58: {  	s26 =	sadd.s32 $0x8000, s24  }
0x59: {  	[sflag:s18] =	ssyncadd.s32 $0xFFFFF800;
	s23 =	smov.u32 s25;
	s22 =	sadd.s32 $0x1000, s25  }
0x5a: {  	[spmem:s1] =	stream.indirect.scatter.add.f32 [tilespmem:s15], [sflag:$0x1], $0x10, s26, s17, $0xb8;
	[tilespmem:$0xD000] =	vst v63  }
0x5b: {  	p0 =	sne.s32 s25, $0x9000;
	s25 =	sadd.s32 $0x8080, s24  }
0x5c: {  	[spmem:s1] =	stream.indirect.scatter.add.f32 [tilespmem:s15], [sflag:$0x1], $0x10, s25, s17, $0xb8;
	[tilespmem:$0xD000] =	vst v63  }
0x5d: {  	s25 =	sadd.s32 $0x8100, s24  }
0x5e: {  	[spmem:s1] =	stream.indirect.scatter.add.f32 [tilespmem:s15], [sflag:$0x1], $0x10, s25, s17, $0xb8;
	[tilespmem:$0xD000] =	vst v63  }
0x5f: {  	s25 =	sadd.s32 $0x8180, s24  }
0x60: {  	[spmem:s1] =	stream.indirect.scatter.add.f32 [tilespmem:s15], [sflag:$0x1], $0x10, s25, s17, $0xb8;
	[tilespmem:$0xD000] =	vst v63  }
0x61: {  	s25 =	sadd.s32 $0x8200, s24  }
0x62: {  	[spmem:s1] =	stream.indirect.scatter.add.f32 [tilespmem:s15], [sflag:$0x1], $0x10, s25, s17, $0xb8;
	[tilespmem:$0xD000] =	vst v63  }
0x63: {  	s25 =	sadd.s32 $0x8280, s24  }
0x64: {  	[spmem:s1] =	stream.indirect.scatter.add.f32 [tilespmem:s15], [sflag:$0x1], $0x10, s25, s17, $0xb8;
	[tilespmem:$0xD000] =	vst v63  }
0x65: {  	s25 =	sadd.s32 $0x8300, s24  }
0x66: {  	[spmem:s1] =	stream.indirect.scatter.add.f32 [tilespmem:s15], [sflag:$0x1], $0x10, s25, s17, $0xb8;
	[tilespmem:$0xD000] =	vst v63  }
0x67: {  	s24 =	sadd.s32 $0x8380, s24  }
0x68: {  	[spmem:s1] =	stream.indirect.scatter.add.f32 [tilespmem:s15], [sflag:$0x1], $0x10, s24, s17, $0xb8;
	[tilespmem:$0xD000] =	vst v63  }
0x69: {  	_ =	swait.ge [sflag:s18], $0x800  }
0x6a: {  	[sflag:s18] =	ssyncset.done $0x0  }
0x6b: {  	[sflag:s18] =	ssyncadd.s32 $0xFFFFF800  }
0x6c: {  	_ =	swait.ge [sflag:s18], $0x800  }
0x6d: {  	[sflag:s18] =	ssyncset.done $0x0  }
0x6e: {  	[sflag:s18] =	ssyncadd.s32 $0xFFFFF800  }
0x6f: {  	_ =	swait.ge [sflag:s18], $0x800  }
0x70: {  	[sflag:s18] =	ssyncset.done $0x0  }
0x71: {  	[sflag:s18] =	ssyncadd.s32 $0xFFFFF800  }
0x72: {  	_ =	swait.ge [sflag:s18], $0x800  }
0x73: {  	[sflag:s18] =	ssyncset.done $0x0  }
0x74: {  	[sflag:s18] =	ssyncadd.s32 $0xFFFFF800  }
0x75: {  	_ =	swait.ge [sflag:s18], $0x800  }
0x76: {  	[sflag:s18] =	ssyncset.done $0x0  }
0x77: {  	[sflag:s18] =	ssyncadd.s32 $0xFFFFF800  }
0x78: {  	_ =	swait.ge [sflag:s18], $0x800  }
0x79: {  	[sflag:s18] =	ssyncset.done $0x0  }
0x7a: {  	[sflag:s18] =	ssyncadd.s32 $0xFFFFF800  }
.Ltmp0:
0x7b: {  	_ =	swait.ge [sflag:s18], $0x800;
	(pc) =	sbr.rel @p0 .LBB2_2-.Ltmp0, $4  }
0x7c: {  	[sflag:s18] =	ssyncset.done $0x0  }
0x7d: {  	[sflag:s18] =	ssyncadd.s32 $0xFFFFF800  }
0x7e: {  	_ =	swait.ge [sflag:s18], $0x800  }
0x7f: {  	s25 =	smov.u32 s22;
	s24 =	sshra.s32 s23, $0x2;
	[sflag:s18] =	ssyncset.done $0x0  }
0x80: {  	s22 =	sadd.s32 $0x8000, s24;
	[sflag:s18] =	ssyncadd.s32 $0xFFFFF800  }
0x81: {  	[spmem:s1] =	stream.indirect.scatter.add.f32 [tilespmem:s15], [sflag:$0x1], $0x10, s22, s17, $0xb8;
	[tilespmem:$0xD000] =	vst v63  }
0x82: {  	s23 =	sadd.s32 $0x8080, s24  }
0x83: {  	[spmem:s1] =	stream.indirect.scatter.add.f32 [tilespmem:s15], [sflag:$0x1], $0x10, s23, s17, $0xb8;
	[tilespmem:$0xD000] =	vst v63  }
0x84: {  	s25 =	sadd.s32 $0x8100, s24  }
0x85: {  	[spmem:s1] =	stream.indirect.scatter.add.f32 [tilespmem:s15], [sflag:$0x1], $0x10, s25, s17, $0xb8;
	[tilespmem:$0xD000] =	vst v63  }
0x86: {  	s26 =	sadd.s32 $0x8180, s24  }
0x87: {  	[spmem:s1] =	stream.indirect.scatter.add.f32 [tilespmem:s15], [sflag:$0x1], $0x10, s26, s17, $0xb8;
	[tilespmem:$0xD000] =	vst v63  }
0x88: {  	s28 =	sadd.s32 $0x8200, s24  }
0x89: {  	[spmem:s1] =	stream.indirect.scatter.add.f32 [tilespmem:s15], [sflag:$0x1], $0x10, s28, s17, $0xb8;
	[tilespmem:$0xD000] =	vst v63  }
0x8a: {  	s29 =	sadd.s32 $0x8280, s24  }
0x8b: {  	[spmem:s1] =	stream.indirect.scatter.add.f32 [tilespmem:s15], [sflag:$0x1], $0x10, s29, s17, $0xb8;
	[tilespmem:$0xD000] =	vst v63  }
0x8c: {  	s30 =	sadd.s32 $0x8300, s24  }
0x8d: {  	[spmem:s1] =	stream.indirect.scatter.add.f32 [tilespmem:s15], [sflag:$0x1], $0x10, s30, s17, $0xb8;
	[tilespmem:$0xD000] =	vst v63  }
0x8e: {  	s31 =	sadd.s32 $0x8380, s24  }
0x8f: {  	[spmem:s1] =	stream.indirect.scatter.add.f32 [tilespmem:s15], [sflag:$0x1], $0x10, s31, s17, $0xb8;
	[tilespmem:$0xD000] =	vst v63  }
0x90: {  	_ =	swait.ge [sflag:s18], $0x800  }
0x91: {  	[sflag:s18] =	ssyncset.done $0x0  }
0x92: {  	[sflag:s18] =	ssyncadd.s32 $0xFFFFF800  }
0x93: {  	_ =	swait.ge [sflag:s18], $0x800  }
0x94: {  	[sflag:s18] =	ssyncset.done $0x0  }
0x95: {  	[sflag:s18] =	ssyncadd.s32 $0xFFFFF800  }
0x96: {  	_ =	swait.ge [sflag:s18], $0x800  }
0x97: {  	[sflag:s18] =	ssyncset.done $0x0  }
0x98: {  	[sflag:s18] =	ssyncadd.s32 $0xFFFFF800  }
0x99: {  	_ =	swait.ge [sflag:s18], $0x800  }
0x9a: {  	[sflag:s18] =	ssyncset.done $0x0  }
0x9b: {  	[sflag:s18] =	ssyncadd.s32 $0xFFFFF800  }
0x9c: {  	_ =	swait.ge [sflag:s18], $0x800  }
0x9d: {  	[sflag:s18] =	ssyncset.done $0x0  }
0x9e: {  	[sflag:s18] =	ssyncadd.s32 $0xFFFFF800  }
0x9f: {  	_ =	swait.ge [sflag:s18], $0x800  }
0xa0: {  	[sflag:s18] =	ssyncset.done $0x0  }
0xa1: {  	[sflag:s18] =	ssyncadd.s32 $0xFFFFF800  }
0xa2: {  	_ =	swait.ge [sflag:s18], $0x800  }
0xa3: {  	[sflag:s18] =	ssyncset.done $0x0  }
0xa4: {  	[sflag:s18] =	ssyncadd.s32 $0xFFFFF800  }
0xa5: {  	_ =	swait.ge [sflag:s18], $0x800  }
0xa6: {  	s21 =	sadd.s32 $0x1, s21;
	[sflag:s18] =	ssyncset.done $0x0  }
0xa7: {  	p0 =	sne.s32 s21, s13;
	[sflag:s18] =	ssyncadd.s32 $0xFFFFF800  }
.Ltmp1:
0xa8: {  	[bflag:$0x0] =	sbarrier.arrive $0xFFFF;
	(pc) =	sbr.rel @p0 .LBB2_1-.Ltmp1, $4  }
0xa9: {  	[hbm:s12], [sflag:s19] =	dma.local [spmem:s20], $0x2800  }
0xaa: {  	_ =	swait.ge [sflag:s14], $0x2800  }
0xab: {  	[sflag:s14] =	ssyncset.done $0x0  }
0xac: {  	[sflag:s14] =	ssyncadd.s32 $0xFFFFD800  }
0xad: {  	_ =	sfence.sel $0x180000  }
0xae: {  	[bflag:$0x0] =	sbarrier.arrive $0xFFFF  }
0xaf: {  	p0 =	sne.s32 s2, $0x0;
	_ =	strace $0x90000047  }
0xb0: {  	s0 =	sadd.s32 @!p0 $0x100000, s0;
	[bflag:$0x2] =	sbarrier.arrive $0xFFFF  }
0xb1: {  	[sflag:s0] =	ssyncadd.tile.s32 @!p0 $0x1;
	_ =	shalt  }
.Lfunc_end2:
_tile_overlayer_lowered:
.L_overlay_start_2:
0xb2: {  	(tag) =	ssettag $0x2  }
0xb3: {  	s0 =	rddreg [dreg:$0x0];
	s2 =	stileid.u32  }
0xb4: {  	s1 =	rddreg [dreg:$0x1];
	p0 =	sne.s32 s2, $0x0  }
0xb5: {  	s3 =	rddreg [dreg:$0x2];
	[bflag:$0x3] =	sbarrier.arrive $0xFFFF;
	s2 =	simm.s32 @!p0 $0x1C02  }
0xb6: {  	[timem:s3], [sflag:s2] =	dma.local @!p0 [hbm:s0], s1  }
0xb7: {  	s0 =	simm.s32 @!p0 $0x2  }
0xb8: {  	_ =	swait.ge @!p0 [sflag:s0], s1  }
0xb9: {  	s1 =	ssub.s32 @!p0 $0x0, s1;
	[sflag:s0] =	ssyncset.done @!p0 $0x0  }
0xba: {  	[sflag:s0] =	ssyncadd.s32 @!p0 s1  }
0xbb: {  	[bflag:$0x3] =	sbarrier.arrive $0xFFFF  }
0xbc: {  	_ =	shalt  }

</sc_bundles>
